<compile_context>
chip_gen: v7x
topology: tpu7x:2x2x1
jax: 0.10.2.dev20260603
libtpu: 0.0.44.dev20260713+nightly
codegen_flags: <defaults>
</compile_context>

<pallas_src>
import functools

import jax
import jax.numpy as jnp
from jax import lax
from jax.experimental import pallas as pl
from jax.experimental.pallas import tpu as pltpu
from jax.experimental.pallas import tpu_sc as plsc

NC = 2
NS = 16
NW = NC * NS
CHUNK = 128
NBUF = 8


@functools.partial(jax.jit, static_argnames=("n_chunks", "d"))
def _sc_gather(idx, weight, *, n_chunks, d):
    per_w = n_chunks * CHUNK
    n_total = NW * per_w

    mesh = plsc.VectorSubcoreMesh(core_axis_name="c", subcore_axis_name="s")

    @functools.partial(
        pl.kernel,
        out_type=jax.ShapeDtypeStruct((n_total, d), jnp.float32),
        mesh=mesh,
        compiler_params=pltpu.CompilerParams(use_tc_tiling_on_sc=False),
        scratch_types=[
            pltpu.VMEM((n_chunks, CHUNK), jnp.int32),
            pltpu.VMEM((NBUF, CHUNK, d), jnp.float32),
            pltpu.SemaphoreType.DMA,
        ]
        + [pltpu.SemaphoreType.DMA] * NBUF
        + [pltpu.SemaphoreType.DMA] * NBUF,
    )
    def run(idx_hbm, tbl_hbm, out_hbm, idx_v, ring_v, sem_i, *sems):
        gsems = sems[:NBUF]
        ssems = sems[NBUF:]
        wid = lax.axis_index("s") * NC + lax.axis_index("c")
        base = wid * per_w

        copy_i = pltpu.make_async_copy(idx_hbm.at[wid], idx_v, sem_i)
        copy_i.start()
        copy_i.wait()

        def gather_start(i, b):
            pltpu.async_copy(tbl_hbm.at[idx_v.at[i]], ring_v.at[b], gsems[b])

        def gather_wait(b):
            pltpu.make_async_copy(
                tbl_hbm.at[idx_v.at[0]], ring_v.at[b], gsems[b]
            ).wait()

        def scatter_start(i, b):
            pltpu.async_copy(
                ring_v.at[b],
                out_hbm.at[pl.ds(base + i * CHUNK, CHUNK)],
                ssems[b],
            )

        def scatter_wait(b):
            pltpu.make_async_copy(
                ring_v.at[b], out_hbm.at[pl.ds(base, CHUNK)], ssems[b]
            ).wait()

        n_groups = n_chunks // NBUF

        for b in range(NBUF):
            gather_start(b, b)

        def group_body(g, carry):
            for b in range(NBUF):
                gather_wait(b)
                scatter_start(g * NBUF + b, b)
            for b in range(NBUF):
                scatter_wait(b)
                gather_start((g + 1) * NBUF + b, b)
            return carry

        lax.fori_loop(0, n_groups - 1, group_body, 0, unroll=False)

        last = (n_groups - 1) * NBUF
        for b in range(NBUF):
            gather_wait(b)
            scatter_start(last + b, b)
        for b in range(NBUF):
            scatter_wait(b)

    return run(idx, weight)


def kernel(x, weight):
    b_sz, l_sz = x.shape
    v, d = weight.shape
    n = b_sz * l_sz
    per_w = n // NW
    n_chunks = per_w // CHUNK
    idx = jnp.clip(x.astype(jnp.int32), 0, v - 1).reshape(NW, n_chunks, CHUNK)
    out = _sc_gather(idx, weight, n_chunks=n_chunks, d=d)
    return out.reshape(b_sz, l_sz, d)

# --- scband reference (transcript-rebuilt; emitter-appended) ---
"""Pipeline reference for scband-parallel-embedding-68393059222058 (READ-ONLY COPY).

The authoritative reference and input builder live on the scoring server;
editing this copy changes nothing except your own understanding.
"""

import jax, jax.numpy as jnp
import numpy as np

VOCAB = 1000000
DIM = 64
B = 4096
L = 200


def setup_inputs(seed: int = 0) -> dict:
    key = jax.random.key(seed)
    k_idx, k_w = jax.random.split(key)
    x = jax.random.randint(k_idx, (B, L), 0, VOCAB, dtype=jnp.int64 if jax.config.jax_enable_x64 else jnp.int32)
    # weight init: normal(0, 0.02) clamped to [-0.1, 0.1] as in reset_parameters
    weight = jax.random.normal(k_w, (VOCAB, DIM), dtype=jnp.float32) * 0.02
    weight = jnp.clip(weight, -0.1, 0.1)
    return {"x": x, "weight": weight}


def reference(x, weight):
    # world_size == 1 path: clamp indices into range, then embedding lookup.
    # Dropout is treated as identity (eval mode). NaN / extreme-value guards
    # are no-ops for this init (|w| <= 0.1), so lookup is the faithful math.
    x_adj = jnp.clip(x, 0, VOCAB - 1)
    y = jnp.take(weight, x_adj, axis=0)
    return y

if __name__ == "__main__":
    import jax
    _d = setup_inputs()
    print(jax.jit(kernel)(*tuple(_d.values())))

</pallas_src>

<mosaic_0001>
#map = affine_map<(d0, d1) -> (0, 0, 0)>
#map1 = affine_map<(d0, d1) -> (0, 0)>
module attributes {stable_mosaic.version = 14 : i64} {
  func.func @run(%arg0: i32, %arg1: i32, %arg2: memref<32x200x128xi32, #tpu.memory_space<hbm>>, %arg3: memref<1000000x64xf32, #tpu.memory_space<hbm>>, %arg4: memref<819200x64xf32, #tpu.memory_space<hbm>>, %arg5: memref<200x128xi32, #tpu.memory_space<vmem>>, %arg6: memref<8x128x64xf32, #tpu.memory_space<vmem>>, %arg7: memref<!tpu.dma_semaphore, #tpu.memory_space<semaphore_mem>>, %arg8: memref<!tpu.dma_semaphore, #tpu.memory_space<semaphore_mem>>, %arg9: memref<!tpu.dma_semaphore, #tpu.memory_space<semaphore_mem>>, %arg10: memref<!tpu.dma_semaphore, #tpu.memory_space<semaphore_mem>>, %arg11: memref<!tpu.dma_semaphore, #tpu.memory_space<semaphore_mem>>, %arg12: memref<!tpu.dma_semaphore, #tpu.memory_space<semaphore_mem>>, %arg13: memref<!tpu.dma_semaphore, #tpu.memory_space<semaphore_mem>>, %arg14: memref<!tpu.dma_semaphore, #tpu.memory_space<semaphore_mem>>, %arg15: memref<!tpu.dma_semaphore, #tpu.memory_space<semaphore_mem>>, %arg16: memref<!tpu.dma_semaphore, #tpu.memory_space<semaphore_mem>>, %arg17: memref<!tpu.dma_semaphore, #tpu.memory_space<semaphore_mem>>, %arg18: memref<!tpu.dma_semaphore, #tpu.memory_space<semaphore_mem>>, %arg19: memref<!tpu.dma_semaphore, #tpu.memory_space<semaphore_mem>>, %arg20: memref<!tpu.dma_semaphore, #tpu.memory_space<semaphore_mem>>, %arg21: memref<!tpu.dma_semaphore, #tpu.memory_space<semaphore_mem>>, %arg22: memref<!tpu.dma_semaphore, #tpu.memory_space<semaphore_mem>>, %arg23: memref<!tpu.dma_semaphore, #tpu.memory_space<semaphore_mem>>) attributes {dimension_semantics = [#tpu.dimension_semantics<core_parallel>, #tpu.dimension_semantics<subcore_parallel>], iteration_bounds = array<i64: 2, 16>, scalar_prefetch = 0 : i64, scratch_operands = 19 : i64, tpu.core_type = #tpu.core_type<sc_vector_subcore>, window_params = [{transform_indices = #map}, {transform_indices = #map1}, {transform_indices = #map1}]} {
    %mul3A = arith.constant 2 : i32
    %mul3A_0 = arith.muli %arg1, %mul3A : i32
    %add3A = arith.addi %mul3A_0, %arg0 : i32
    %mul3A_1 = arith.constant 25600 : i32
    %mul3A_2 = arith.muli %add3A, %mul3A_1 : i32
    %dma_start3A = arith.constant 0 : i32
    %dma_start3A_3 = arith.constant 0 : i32
    %dma_start3A_4 = tpu.memref_slice %arg2[%add3A, %dma_start3A, %dma_start3A_3] : memref<32x200x128xi32, #tpu.memory_space<hbm>> -> memref<1x200x128xi32, #tpu.memory_space<hbm>>
    %dma_start3A_5 = tpu.memref_squeeze %dma_start3A_4 : memref<1x200x128xi32, #tpu.memory_space<hbm>> -> memref<200x128xi32, #tpu.memory_space<hbm>>
    %dma_start3A_6 = arith.constant 0 : i32
    %dma_start3A_7 = arith.constant 0 : i32
    %dma_start3A_8 = tpu.memref_slice %arg2[%add3A, %dma_start3A_6, %dma_start3A_7] : memref<32x200x128xi32, #tpu.memory_space<hbm>> -> memref<1x200x128xi32, #tpu.memory_space<hbm>>
    %dma_start3A_9 = tpu.memref_squeeze %dma_start3A_8 : memref<1x200x128xi32, #tpu.memory_space<hbm>> -> memref<200x128xi32, #tpu.memory_space<hbm>>
    tpu.enqueue_dma source(%dma_start3A_9 : memref<200x128xi32, #tpu.memory_space<hbm>>) target(%arg5 : memref<200x128xi32, #tpu.memory_space<vmem>>) target_semaphore(%arg7 : memref<!tpu.dma_semaphore, #tpu.memory_space<semaphore_mem>>)
    %dma_wait3A = arith.constant 0 : i32
    %dma_wait3A_10 = arith.constant 0 : i32
    %dma_wait3A_11 = tpu.memref_slice %arg2[%add3A, %dma_wait3A, %dma_wait3A_10] : memref<32x200x128xi32, #tpu.memory_space<hbm>> -> memref<1x200x128xi32, #tpu.memory_space<hbm>>
    %dma_wait3A_12 = tpu.memref_squeeze %dma_wait3A_11 : memref<1x200x128xi32, #tpu.memory_space<hbm>> -> memref<200x128xi32, #tpu.memory_space<hbm>>
    %dma_wait3A_13 = arith.constant 0 : i32
    %dma_wait3A_14 = arith.constant 0 : i32
    %dma_wait3A_15 = tpu.memref_slice %arg2[%add3A, %dma_wait3A_13, %dma_wait3A_14] : memref<32x200x128xi32, #tpu.memory_space<hbm>> -> memref<1x200x128xi32, #tpu.memory_space<hbm>>
    %dma_wait3A_16 = tpu.memref_squeeze %dma_wait3A_15 : memref<1x200x128xi32, #tpu.memory_space<hbm>> -> memref<200x128xi32, #tpu.memory_space<hbm>>
    tpu.wait_dma2 semaphore(%arg7 : memref<!tpu.dma_semaphore, #tpu.memory_space<semaphore_mem>>) src(%dma_wait3A_16 : memref<200x128xi32, #tpu.memory_space<hbm>>) dst(%arg5 : memref<200x128xi32, #tpu.memory_space<vmem>>)
    %dma_start3A_17 = arith.constant 0 : i32
    %dma_start3A_18 = arith.constant 0 : i32
    %dma_start3A_19 = arith.constant 0 : i32
    %dma_start3A_20 = arith.constant 0 : i32
    %dma_start3A_21 = tpu.memref_slice %arg6[%dma_start3A_18, %dma_start3A_19, %dma_start3A_20] : memref<8x128x64xf32, #tpu.memory_space<vmem>> -> memref<1x128x64xf32, #tpu.memory_space<vmem>>
    %dma_start3A_22 = tpu.memref_squeeze %dma_start3A_21 : memref<1x128x64xf32, #tpu.memory_space<vmem>> -> memref<128x64xf32, #tpu.memory_space<vmem>>
    %dma_start3A_23 = arith.constant 0 : i32
    %dma_start3A_24 = tpu.memref_slice %arg5[%dma_start3A_17, %dma_start3A_23] : memref<200x128xi32, #tpu.memory_space<vmem>> -> memref<1x128xi32, #tpu.memory_space<vmem>>
    %dma_start3A_25 = tpu.memref_squeeze %dma_start3A_24 : memref<1x128xi32, #tpu.memory_space<vmem>> -> memref<128xi32, #tpu.memory_space<vmem>>
    %dma_start3A_26 = arith.constant 0 : i32
    %dma_start3A_27 = arith.constant 0 : i32
    %dma_start3A_28 = tpu.memref_slice %arg3[%dma_start3A_26, %dma_start3A_27] : memref<1000000x64xf32, #tpu.memory_space<hbm>> -> memref<1000000x64xf32, #tpu.memory_space<hbm>>
    tpu.enqueue_indirect_dma source(%dma_start3A_28 : memref<1000000x64xf32, #tpu.memory_space<hbm>>) target(%dma_start3A_22 : memref<128x64xf32, #tpu.memory_space<vmem>>) offsets(%dma_start3A_25 : memref<128xi32, #tpu.memory_space<vmem>>) semaphore(%arg8 : memref<!tpu.dma_semaphore, #tpu.memory_space<semaphore_mem>>)
    %dma_start3A_29 = arith.constant 1 : i32
    %dma_start3A_30 = arith.constant 1 : i32
    %dma_start3A_31 = arith.constant 0 : i32
    %dma_start3A_32 = arith.constant 0 : i32
    %dma_start3A_33 = tpu.memref_slice %arg6[%dma_start3A_30, %dma_start3A_31, %dma_start3A_32] : memref<8x128x64xf32, #tpu.memory_space<vmem>> -> memref<1x128x64xf32, #tpu.memory_space<vmem>>
    %dma_start3A_34 = tpu.memref_squeeze %dma_start3A_33 : memref<1x128x64xf32, #tpu.memory_space<vmem>> -> memref<128x64xf32, #tpu.memory_space<vmem>>
    %dma_start3A_35 = arith.constant 0 : i32
    %dma_start3A_36 = tpu.memref_slice %arg5[%dma_start3A_29, %dma_start3A_35] : memref<200x128xi32, #tpu.memory_space<vmem>> -> memref<1x128xi32, #tpu.memory_space<vmem>>
    %dma_start3A_37 = tpu.memref_squeeze %dma_start3A_36 : memref<1x128xi32, #tpu.memory_space<vmem>> -> memref<128xi32, #tpu.memory_space<vmem>>
    %dma_start3A_38 = arith.constant 0 : i32
    %dma_start3A_39 = arith.constant 0 : i32
    %dma_start3A_40 = tpu.memref_slice %arg3[%dma_start3A_38, %dma_start3A_39] : memref<1000000x64xf32, #tpu.memory_space<hbm>> -> memref<1000000x64xf32, #tpu.memory_space<hbm>>
    tpu.enqueue_indirect_dma source(%dma_start3A_40 : memref<1000000x64xf32, #tpu.memory_space<hbm>>) target(%dma_start3A_34 : memref<128x64xf32, #tpu.memory_space<vmem>>) offsets(%dma_start3A_37 : memref<128xi32, #tpu.memory_space<vmem>>) semaphore(%arg9 : memref<!tpu.dma_semaphore, #tpu.memory_space<semaphore_mem>>)
    %dma_start3A_41 = arith.constant 2 : i32
    %dma_start3A_42 = arith.constant 2 : i32
    %dma_start3A_43 = arith.constant 0 : i32
    %dma_start3A_44 = arith.constant 0 : i32
    %dma_start3A_45 = tpu.memref_slice %arg6[%dma_start3A_42, %dma_start3A_43, %dma_start3A_44] : memref<8x128x64xf32, #tpu.memory_space<vmem>> -> memref<1x128x64xf32, #tpu.memory_space<vmem>>
    %dma_start3A_46 = tpu.memref_squeeze %dma_start3A_45 : memref<1x128x64xf32, #tpu.memory_space<vmem>> -> memref<128x64xf32, #tpu.memory_space<vmem>>
    %dma_start3A_47 = arith.constant 0 : i32
    %dma_start3A_48 = tpu.memref_slice %arg5[%dma_start3A_41, %dma_start3A_47] : memref<200x128xi32, #tpu.memory_space<vmem>> -> memref<1x128xi32, #tpu.memory_space<vmem>>
    %dma_start3A_49 = tpu.memref_squeeze %dma_start3A_48 : memref<1x128xi32, #tpu.memory_space<vmem>> -> memref<128xi32, #tpu.memory_space<vmem>>
    %dma_start3A_50 = arith.constant 0 : i32
    %dma_start3A_51 = arith.constant 0 : i32
    %dma_start3A_52 = tpu.memref_slice %arg3[%dma_start3A_50, %dma_start3A_51] : memref<1000000x64xf32, #tpu.memory_space<hbm>> -> memref<1000000x64xf32, #tpu.memory_space<hbm>>
    tpu.enqueue_indirect_dma source(%dma_start3A_52 : memref<1000000x64xf32, #tpu.memory_space<hbm>>) target(%dma_start3A_46 : memref<128x64xf32, #tpu.memory_space<vmem>>) offsets(%dma_start3A_49 : memref<128xi32, #tpu.memory_space<vmem>>) semaphore(%arg10 : memref<!tpu.dma_semaphore, #tpu.memory_space<semaphore_mem>>)
    %dma_start3A_53 = arith.constant 3 : i32
    %dma_start3A_54 = arith.constant 3 : i32
    %dma_start3A_55 = arith.constant 0 : i32
    %dma_start3A_56 = arith.constant 0 : i32
    %dma_start3A_57 = tpu.memref_slice %arg6[%dma_start3A_54, %dma_start3A_55, %dma_start3A_56] : memref<8x128x64xf32, #tpu.memory_space<vmem>> -> memref<1x128x64xf32, #tpu.memory_space<vmem>>
    %dma_start3A_58 = tpu.memref_squeeze %dma_start3A_57 : memref<1x128x64xf32, #tpu.memory_space<vmem>> -> memref<128x64xf32, #tpu.memory_space<vmem>>
    %dma_start3A_59 = arith.constant 0 : i32
    %dma_start3A_60 = tpu.memref_slice %arg5[%dma_start3A_53, %dma_start3A_59] : memref<200x128xi32, #tpu.memory_space<vmem>> -> memref<1x128xi32, #tpu.memory_space<vmem>>
    %dma_start3A_61 = tpu.memref_squeeze %dma_start3A_60 : memref<1x128xi32, #tpu.memory_space<vmem>> -> memref<128xi32, #tpu.memory_space<vmem>>
    %dma_start3A_62 = arith.constant 0 : i32
    %dma_start3A_63 = arith.constant 0 : i32
    %dma_start3A_64 = tpu.memref_slice %arg3[%dma_start3A_62, %dma_start3A_63] : memref<1000000x64xf32, #tpu.memory_space<hbm>> -> memref<1000000x64xf32, #tpu.memory_space<hbm>>
    tpu.enqueue_indirect_dma source(%dma_start3A_64 : memref<1000000x64xf32, #tpu.memory_space<hbm>>) target(%dma_start3A_58 : memref<128x64xf32, #tpu.memory_space<vmem>>) offsets(%dma_start3A_61 : memref<128xi32, #tpu.memory_space<vmem>>) semaphore(%arg11 : memref<!tpu.dma_semaphore, #tpu.memory_space<semaphore_mem>>)
    %dma_start3A_65 = arith.constant 4 : i32
    %dma_start3A_66 = arith.constant 4 : i32
    %dma_start3A_67 = arith.constant 0 : i32
    %dma_start3A_68 = arith.constant 0 : i32
    %dma_start3A_69 = tpu.memref_slice %arg6[%dma_start3A_66, %dma_start3A_67, %dma_start3A_68] : memref<8x128x64xf32, #tpu.memory_space<vmem>> -> memref<1x128x64xf32, #tpu.memory_space<vmem>>
    %dma_start3A_70 = tpu.memref_squeeze %dma_start3A_69 : memref<1x128x64xf32, #tpu.memory_space<vmem>> -> memref<128x64xf32, #tpu.memory_space<vmem>>
    %dma_start3A_71 = arith.constant 0 : i32
    %dma_start3A_72 = tpu.memref_slice %arg5[%dma_start3A_65, %dma_start3A_71] : memref<200x128xi32, #tpu.memory_space<vmem>> -> memref<1x128xi32, #tpu.memory_space<vmem>>
    %dma_start3A_73 = tpu.memref_squeeze %dma_start3A_72 : memref<1x128xi32, #tpu.memory_space<vmem>> -> memref<128xi32, #tpu.memory_space<vmem>>
    %dma_start3A_74 = arith.constant 0 : i32
    %dma_start3A_75 = arith.constant 0 : i32
    %dma_start3A_76 = tpu.memref_slice %arg3[%dma_start3A_74, %dma_start3A_75] : memref<1000000x64xf32, #tpu.memory_space<hbm>> -> memref<1000000x64xf32, #tpu.memory_space<hbm>>
    tpu.enqueue_indirect_dma source(%dma_start3A_76 : memref<1000000x64xf32, #tpu.memory_space<hbm>>) target(%dma_start3A_70 : memref<128x64xf32, #tpu.memory_space<vmem>>) offsets(%dma_start3A_73 : memref<128xi32, #tpu.memory_space<vmem>>) semaphore(%arg12 : memref<!tpu.dma_semaphore, #tpu.memory_space<semaphore_mem>>)
    %dma_start3A_77 = arith.constant 5 : i32
    %dma_start3A_78 = arith.constant 5 : i32
    %dma_start3A_79 = arith.constant 0 : i32
    %dma_start3A_80 = arith.constant 0 : i32
    %dma_start3A_81 = tpu.memref_slice %arg6[%dma_start3A_78, %dma_start3A_79, %dma_start3A_80] : memref<8x128x64xf32, #tpu.memory_space<vmem>> -> memref<1x128x64xf32, #tpu.memory_space<vmem>>
    %dma_start3A_82 = tpu.memref_squeeze %dma_start3A_81 : memref<1x128x64xf32, #tpu.memory_space<vmem>> -> memref<128x64xf32, #tpu.memory_space<vmem>>
    %dma_start3A_83 = arith.constant 0 : i32
    %dma_start3A_84 = tpu.memref_slice %arg5[%dma_start3A_77, %dma_start3A_83] : memref<200x128xi32, #tpu.memory_space<vmem>> -> memref<1x128xi32, #tpu.memory_space<vmem>>
    %dma_start3A_85 = tpu.memref_squeeze %dma_start3A_84 : memref<1x128xi32, #tpu.memory_space<vmem>> -> memref<128xi32, #tpu.memory_space<vmem>>
    %dma_start3A_86 = arith.constant 0 : i32
    %dma_start3A_87 = arith.constant 0 : i32
    %dma_start3A_88 = tpu.memref_slice %arg3[%dma_start3A_86, %dma_start3A_87] : memref<1000000x64xf32, #tpu.memory_space<hbm>> -> memref<1000000x64xf32, #tpu.memory_space<hbm>>
    tpu.enqueue_indirect_dma source(%dma_start3A_88 : memref<1000000x64xf32, #tpu.memory_space<hbm>>) target(%dma_start3A_82 : memref<128x64xf32, #tpu.memory_space<vmem>>) offsets(%dma_start3A_85 : memref<128xi32, #tpu.memory_space<vmem>>) semaphore(%arg13 : memref<!tpu.dma_semaphore, #tpu.memory_space<semaphore_mem>>)
    %dma_start3A_89 = arith.constant 6 : i32
    %dma_start3A_90 = arith.constant 6 : i32
    %dma_start3A_91 = arith.constant 0 : i32
    %dma_start3A_92 = arith.constant 0 : i32
    %dma_start3A_93 = tpu.memref_slice %arg6[%dma_start3A_90, %dma_start3A_91, %dma_start3A_92] : memref<8x128x64xf32, #tpu.memory_space<vmem>> -> memref<1x128x64xf32, #tpu.memory_space<vmem>>
    %dma_start3A_94 = tpu.memref_squeeze %dma_start3A_93 : memref<1x128x64xf32, #tpu.memory_space<vmem>> -> memref<128x64xf32, #tpu.memory_space<vmem>>
    %dma_start3A_95 = arith.constant 0 : i32
    %dma_start3A_96 = tpu.memref_slice %arg5[%dma_start3A_89, %dma_start3A_95] : memref<200x128xi32, #tpu.memory_space<vmem>> -> memref<1x128xi32, #tpu.memory_space<vmem>>
    %dma_start3A_97 = tpu.memref_squeeze %dma_start3A_96 : memref<1x128xi32, #tpu.memory_space<vmem>> -> memref<128xi32, #tpu.memory_space<vmem>>
    %dma_start3A_98 = arith.constant 0 : i32
    %dma_start3A_99 = arith.constant 0 : i32
    %dma_start3A_100 = tpu.memref_slice %arg3[%dma_start3A_98, %dma_start3A_99] : memref<1000000x64xf32, #tpu.memory_space<hbm>> -> memref<1000000x64xf32, #tpu.memory_space<hbm>>
    tpu.enqueue_indirect_dma source(%dma_start3A_100 : memref<1000000x64xf32, #tpu.memory_space<hbm>>) target(%dma_start3A_94 : memref<128x64xf32, #tpu.memory_space<vmem>>) offsets(%dma_start3A_97 : memref<128xi32, #tpu.memory_space<vmem>>) semaphore(%arg14 : memref<!tpu.dma_semaphore, #tpu.memory_space<semaphore_mem>>)
    %dma_start3A_101 = arith.constant 7 : i32
    %dma_start3A_102 = arith.constant 7 : i32
    %dma_start3A_103 = arith.constant 0 : i32
    %dma_start3A_104 = arith.constant 0 : i32
    %dma_start3A_105 = tpu.memref_slice %arg6[%dma_start3A_102, %dma_start3A_103, %dma_start3A_104] : memref<8x128x64xf32, #tpu.memory_space<vmem>> -> memref<1x128x64xf32, #tpu.memory_space<vmem>>
    %dma_start3A_106 = tpu.memref_squeeze %dma_start3A_105 : memref<1x128x64xf32, #tpu.memory_space<vmem>> -> memref<128x64xf32, #tpu.memory_space<vmem>>
    %dma_start3A_107 = arith.constant 0 : i32
    %dma_start3A_108 = tpu.memref_slice %arg5[%dma_start3A_101, %dma_start3A_107] : memref<200x128xi32, #tpu.memory_space<vmem>> -> memref<1x128xi32, #tpu.memory_space<vmem>>
    %dma_start3A_109 = tpu.memref_squeeze %dma_start3A_108 : memref<1x128xi32, #tpu.memory_space<vmem>> -> memref<128xi32, #tpu.memory_space<vmem>>
    %dma_start3A_110 = arith.constant 0 : i32
    %dma_start3A_111 = arith.constant 0 : i32
    %dma_start3A_112 = tpu.memref_slice %arg3[%dma_start3A_110, %dma_start3A_111] : memref<1000000x64xf32, #tpu.memory_space<hbm>> -> memref<1000000x64xf32, #tpu.memory_space<hbm>>
    tpu.enqueue_indirect_dma source(%dma_start3A_112 : memref<1000000x64xf32, #tpu.memory_space<hbm>>) target(%dma_start3A_106 : memref<128x64xf32, #tpu.memory_space<vmem>>) offsets(%dma_start3A_109 : memref<128xi32, #tpu.memory_space<vmem>>) semaphore(%arg15 : memref<!tpu.dma_semaphore, #tpu.memory_space<semaphore_mem>>)
    %scan3A = arith.constant 0 : i32
    %scan3A_113 = arith.constant 0 : i32
    %scan3A_114 = arith.constant 24 : i32
    %scan3A_115 = arith.addi %scan3A_113, %scan3A_114 : i32
    %scan3A_116 = arith.constant 1 : i32
    scf.for %scan3A_438 = %scan3A_113 to %scan3A_115 step %scan3A_116  : i32 {
      %dma_wait3A_439 = arith.constant 0 : i32
      %dma_wait3A_440 = arith.constant 0 : i32
      %dma_wait3A_441 = arith.constant 0 : i32
      %dma_wait3A_442 = arith.constant 0 : i32
      %dma_wait3A_443 = tpu.memref_slice %arg6[%dma_wait3A_440, %dma_wait3A_441, %dma_wait3A_442] : memref<8x128x64xf32, #tpu.memory_space<vmem>> -> memref<1x128x64xf32, #tpu.memory_space<vmem>>
      %dma_wait3A_444 = tpu.memref_squeeze %dma_wait3A_443 : memref<1x128x64xf32, #tpu.memory_space<vmem>> -> memref<128x64xf32, #tpu.memory_space<vmem>>
      %dma_wait3A_445 = arith.constant 0 : i32
      %dma_wait3A_446 = tpu.memref_slice %arg5[%dma_wait3A_439, %dma_wait3A_445] : memref<200x128xi32, #tpu.memory_space<vmem>> -> memref<1x128xi32, #tpu.memory_space<vmem>>
      %dma_wait3A_447 = tpu.memref_squeeze %dma_wait3A_446 : memref<1x128xi32, #tpu.memory_space<vmem>> -> memref<128xi32, #tpu.memory_space<vmem>>
      %dma_wait3A_448 = arith.constant 0 : i32
      %dma_wait3A_449 = arith.constant 0 : i32
      %dma_wait3A_450 = tpu.memref_slice %arg3[%dma_wait3A_448, %dma_wait3A_449] : memref<1000000x64xf32, #tpu.memory_space<hbm>> -> memref<1000000x64xf32, #tpu.memory_space<hbm>>
      tpu.wait_indirect_dma semaphore(%arg8 : memref<!tpu.dma_semaphore, #tpu.memory_space<semaphore_mem>>) src(%dma_wait3A_450 : memref<1000000x64xf32, #tpu.memory_space<hbm>>) dst(%dma_wait3A_444 : memref<128x64xf32, #tpu.memory_space<vmem>>)
      %mul3A_451 = arith.constant 8 : i32
      %mul3A_452 = arith.muli %scan3A_438, %mul3A_451 : i32
      %add3A_453 = arith.constant 0 : i32
      %add3A_454 = arith.addi %mul3A_452, %add3A_453 : i32
      %mul3A_455 = arith.constant 128 : i32
      %mul3A_456 = arith.muli %add3A_454, %mul3A_455 : i32
      %add3A_457 = arith.addi %mul3A_2, %mul3A_456 : i32
      %dma_start3A_458 = arith.constant 0 : i32
      %dma_start3A_459 = arith.constant 0 : i32
      %dma_start3A_460 = arith.constant 0 : i32
      %dma_start3A_461 = tpu.memref_slice %arg6[%dma_start3A_458, %dma_start3A_459, %dma_start3A_460] : memref<8x128x64xf32, #tpu.memory_space<vmem>> -> memref<1x128x64xf32, #tpu.memory_space<vmem>>
      %dma_start3A_462 = tpu.memref_squeeze %dma_start3A_461 : memref<1x128x64xf32, #tpu.memory_space<vmem>> -> memref<128x64xf32, #tpu.memory_space<vmem>>
      %dma_start3A_463 = arith.constant 0 : i32
      %dma_start3A_464 = tpu.memref_slice %arg4[%add3A_457, %dma_start3A_463] : memref<819200x64xf32, #tpu.memory_space<hbm>> -> memref<128x64xf32, #tpu.memory_space<hbm>>
      %dma_start3A_465 = arith.constant 0 : i32
      %dma_start3A_466 = tpu.memref_slice %arg4[%add3A_457, %dma_start3A_465] : memref<819200x64xf32, #tpu.memory_space<hbm>> -> memref<128x64xf32, #tpu.memory_space<hbm>>
      %dma_start3A_467 = arith.constant 0 : i32
      %dma_start3A_468 = arith.constant 0 : i32
      %dma_start3A_469 = tpu.memref_slice %arg6[%dma_start3A_458, %dma_start3A_467, %dma_start3A_468] : memref<8x128x64xf32, #tpu.memory_space<vmem>> -> memref<1x128x64xf32, #tpu.memory_space<vmem>>
      %dma_start3A_470 = tpu.memref_squeeze %dma_start3A_469 : memref<1x128x64xf32, #tpu.memory_space<vmem>> -> memref<128x64xf32, #tpu.memory_space<vmem>>
      tpu.enqueue_dma source(%dma_start3A_470 : memref<128x64xf32, #tpu.memory_space<vmem>>) target(%dma_start3A_466 : memref<128x64xf32, #tpu.memory_space<hbm>>) target_semaphore(%arg16 : memref<!tpu.dma_semaphore, #tpu.memory_space<semaphore_mem>>)
      %dma_wait3A_471 = arith.constant 0 : i32
      %dma_wait3A_472 = arith.constant 1 : i32
      %dma_wait3A_473 = arith.constant 0 : i32
      %dma_wait3A_474 = arith.constant 0 : i32
      %dma_wait3A_475 = tpu.memref_slice %arg6[%dma_wait3A_472, %dma_wait3A_473, %dma_wait3A_474] : memref<8x128x64xf32, #tpu.memory_space<vmem>> -> memref<1x128x64xf32, #tpu.memory_space<vmem>>
      %dma_wait3A_476 = tpu.memref_squeeze %dma_wait3A_475 : memref<1x128x64xf32, #tpu.memory_space<vmem>> -> memref<128x64xf32, #tpu.memory_space<vmem>>
      %dma_wait3A_477 = arith.constant 0 : i32
      %dma_wait3A_478 = tpu.memref_slice %arg5[%dma_wait3A_471, %dma_wait3A_477] : memref<200x128xi32, #tpu.memory_space<vmem>> -> memref<1x128xi32, #tpu.memory_space<vmem>>
      %dma_wait3A_479 = tpu.memref_squeeze %dma_wait3A_478 : memref<1x128xi32, #tpu.memory_space<vmem>> -> memref<128xi32, #tpu.memory_space<vmem>>
      %dma_wait3A_480 = arith.constant 0 : i32
      %dma_wait3A_481 = arith.constant 0 : i32
      %dma_wait3A_482 = tpu.memref_slice %arg3[%dma_wait3A_480, %dma_wait3A_481] : memref<1000000x64xf32, #tpu.memory_space<hbm>> -> memref<1000000x64xf32, #tpu.memory_space<hbm>>
      tpu.wait_indirect_dma semaphore(%arg9 : memref<!tpu.dma_semaphore, #tpu.memory_space<semaphore_mem>>) src(%dma_wait3A_482 : memref<1000000x64xf32, #tpu.memory_space<hbm>>) dst(%dma_wait3A_476 : memref<128x64xf32, #tpu.memory_space<vmem>>)
      %mul3A_483 = arith.constant 8 : i32
      %mul3A_484 = arith.muli %scan3A_438, %mul3A_483 : i32
      %add3A_485 = arith.constant 1 : i32
      %add3A_486 = arith.addi %mul3A_484, %add3A_485 : i32
      %mul3A_487 = arith.constant 128 : i32
      %mul3A_488 = arith.muli %add3A_486, %mul3A_487 : i32
      %add3A_489 = arith.addi %mul3A_2, %mul3A_488 : i32
      %dma_start3A_490 = arith.constant 1 : i32
      %dma_start3A_491 = arith.constant 0 : i32
      %dma_start3A_492 = arith.constant 0 : i32
      %dma_start3A_493 = tpu.memref_slice %arg6[%dma_start3A_490, %dma_start3A_491, %dma_start3A_492] : memref<8x128x64xf32, #tpu.memory_space<vmem>> -> memref<1x128x64xf32, #tpu.memory_space<vmem>>
      %dma_start3A_494 = tpu.memref_squeeze %dma_start3A_493 : memref<1x128x64xf32, #tpu.memory_space<vmem>> -> memref<128x64xf32, #tpu.memory_space<vmem>>
      %dma_start3A_495 = arith.constant 0 : i32
      %dma_start3A_496 = tpu.memref_slice %arg4[%add3A_489, %dma_start3A_495] : memref<819200x64xf32, #tpu.memory_space<hbm>> -> memref<128x64xf32, #tpu.memory_space<hbm>>
      %dma_start3A_497 = arith.constant 0 : i32
      %dma_start3A_498 = tpu.memref_slice %arg4[%add3A_489, %dma_start3A_497] : memref<819200x64xf32, #tpu.memory_space<hbm>> -> memref<128x64xf32, #tpu.memory_space<hbm>>
      %dma_start3A_499 = arith.constant 0 : i32
      %dma_start3A_500 = arith.constant 0 : i32
      %dma_start3A_501 = tpu.memref_slice %arg6[%dma_start3A_490, %dma_start3A_499, %dma_start3A_500] : memref<8x128x64xf32, #tpu.memory_space<vmem>> -> memref<1x128x64xf32, #tpu.memory_space<vmem>>
      %dma_start3A_502 = tpu.memref_squeeze %dma_start3A_501 : memref<1x128x64xf32, #tpu.memory_space<vmem>> -> memref<128x64xf32, #tpu.memory_space<vmem>>
      tpu.enqueue_dma source(%dma_start3A_502 : memref<128x64xf32, #tpu.memory_space<vmem>>) target(%dma_start3A_498 : memref<128x64xf32, #tpu.memory_space<hbm>>) target_semaphore(%arg17 : memref<!tpu.dma_semaphore, #tpu.memory_space<semaphore_mem>>)
      %dma_wait3A_503 = arith.constant 0 : i32
      %dma_wait3A_504 = arith.constant 2 : i32
      %dma_wait3A_505 = arith.constant 0 : i32
      %dma_wait3A_506 = arith.constant 0 : i32
      %dma_wait3A_507 = tpu.memref_slice %arg6[%dma_wait3A_504, %dma_wait3A_505, %dma_wait3A_506] : memref<8x128x64xf32, #tpu.memory_space<vmem>> -> memref<1x128x64xf32, #tpu.memory_space<vmem>>
      %dma_wait3A_508 = tpu.memref_squeeze %dma_wait3A_507 : memref<1x128x64xf32, #tpu.memory_space<vmem>> -> memref<128x64xf32, #tpu.memory_space<vmem>>
      %dma_wait3A_509 = arith.constant 0 : i32
      %dma_wait3A_510 = tpu.memref_slice %arg5[%dma_wait3A_503, %dma_wait3A_509] : memref<200x128xi32, #tpu.memory_space<vmem>> -> memref<1x128xi32, #tpu.memory_space<vmem>>
      %dma_wait3A_511 = tpu.memref_squeeze %dma_wait3A_510 : memref<1x128xi32, #tpu.memory_space<vmem>> -> memref<128xi32, #tpu.memory_space<vmem>>
      %dma_wait3A_512 = arith.constant 0 : i32
      %dma_wait3A_513 = arith.constant 0 : i32
      %dma_wait3A_514 = tpu.memref_slice %arg3[%dma_wait3A_512, %dma_wait3A_513] : memref<1000000x64xf32, #tpu.memory_space<hbm>> -> memref<1000000x64xf32, #tpu.memory_space<hbm>>
      tpu.wait_indirect_dma semaphore(%arg10 : memref<!tpu.dma_semaphore, #tpu.memory_space<semaphore_mem>>) src(%dma_wait3A_514 : memref<1000000x64xf32, #tpu.memory_space<hbm>>) dst(%dma_wait3A_508 : memref<128x64xf32, #tpu.memory_space<vmem>>)
      %mul3A_515 = arith.constant 8 : i32
      %mul3A_516 = arith.muli %scan3A_438, %mul3A_515 : i32
      %add3A_517 = arith.constant 2 : i32
      %add3A_518 = arith.addi %mul3A_516, %add3A_517 : i32
      %mul3A_519 = arith.constant 128 : i32
      %mul3A_520 = arith.muli %add3A_518, %mul3A_519 : i32
      %add3A_521 = arith.addi %mul3A_2, %mul3A_520 : i32
      %dma_start3A_522 = arith.constant 2 : i32
      %dma_start3A_523 = arith.constant 0 : i32
      %dma_start3A_524 = arith.constant 0 : i32
      %dma_start3A_525 = tpu.memref_slice %arg6[%dma_start3A_522, %dma_start3A_523, %dma_start3A_524] : memref<8x128x64xf32, #tpu.memory_space<vmem>> -> memref<1x128x64xf32, #tpu.memory_space<vmem>>
      %dma_start3A_526 = tpu.memref_squeeze %dma_start3A_525 : memref<1x128x64xf32, #tpu.memory_space<vmem>> -> memref<128x64xf32, #tpu.memory_space<vmem>>
      %dma_start3A_527 = arith.constant 0 : i32
      %dma_start3A_528 = tpu.memref_slice %arg4[%add3A_521, %dma_start3A_527] : memref<819200x64xf32, #tpu.memory_space<hbm>> -> memref<128x64xf32, #tpu.memory_space<hbm>>
      %dma_start3A_529 = arith.constant 0 : i32
      %dma_start3A_530 = tpu.memref_slice %arg4[%add3A_521, %dma_start3A_529] : memref<819200x64xf32, #tpu.memory_space<hbm>> -> memref<128x64xf32, #tpu.memory_space<hbm>>
      %dma_start3A_531 = arith.constant 0 : i32
      %dma_start3A_532 = arith.constant 0 : i32
      %dma_start3A_533 = tpu.memref_slice %arg6[%dma_start3A_522, %dma_start3A_531, %dma_start3A_532] : memref<8x128x64xf32, #tpu.memory_space<vmem>> -> memref<1x128x64xf32, #tpu.memory_space<vmem>>
      %dma_start3A_534 = tpu.memref_squeeze %dma_start3A_533 : memref<1x128x64xf32, #tpu.memory_space<vmem>> -> memref<128x64xf32, #tpu.memory_space<vmem>>
      tpu.enqueue_dma source(%dma_start3A_534 : memref<128x64xf32, #tpu.memory_space<vmem>>) target(%dma_start3A_530 : memref<128x64xf32, #tpu.memory_space<hbm>>) target_semaphore(%arg18 : memref<!tpu.dma_semaphore, #tpu.memory_space<semaphore_mem>>)
      %dma_wait3A_535 = arith.constant 0 : i32
      %dma_wait3A_536 = arith.constant 3 : i32
      %dma_wait3A_537 = arith.constant 0 : i32
      %dma_wait3A_538 = arith.constant 0 : i32
      %dma_wait3A_539 = tpu.memref_slice %arg6[%dma_wait3A_536, %dma_wait3A_537, %dma_wait3A_538] : memref<8x128x64xf32, #tpu.memory_space<vmem>> -> memref<1x128x64xf32, #tpu.memory_space<vmem>>
      %dma_wait3A_540 = tpu.memref_squeeze %dma_wait3A_539 : memref<1x128x64xf32, #tpu.memory_space<vmem>> -> memref<128x64xf32, #tpu.memory_space<vmem>>
      %dma_wait3A_541 = arith.constant 0 : i32
      %dma_wait3A_542 = tpu.memref_slice %arg5[%dma_wait3A_535, %dma_wait3A_541] : memref<200x128xi32, #tpu.memory_space<vmem>> -> memref<1x128xi32, #tpu.memory_space<vmem>>
      %dma_wait3A_543 = tpu.memref_squeeze %dma_wait3A_542 : memref<1x128xi32, #tpu.memory_space<vmem>> -> memref<128xi32, #tpu.memory_space<vmem>>
      %dma_wait3A_544 = arith.constant 0 : i32
      %dma_wait3A_545 = arith.constant 0 : i32
      %dma_wait3A_546 = tpu.memref_slice %arg3[%dma_wait3A_544, %dma_wait3A_545] : memref<1000000x64xf32, #tpu.memory_space<hbm>> -> memref<1000000x64xf32, #tpu.memory_space<hbm>>
      tpu.wait_indirect_dma semaphore(%arg11 : memref<!tpu.dma_semaphore, #tpu.memory_space<semaphore_mem>>) src(%dma_wait3A_546 : memref<1000000x64xf32, #tpu.memory_space<hbm>>) dst(%dma_wait3A_540 : memref<128x64xf32, #tpu.memory_space<vmem>>)
      %mul3A_547 = arith.constant 8 : i32
      %mul3A_548 = arith.muli %scan3A_438, %mul3A_547 : i32
      %add3A_549 = arith.constant 3 : i32
      %add3A_550 = arith.addi %mul3A_548, %add3A_549 : i32
      %mul3A_551 = arith.constant 128 : i32
      %mul3A_552 = arith.muli %add3A_550, %mul3A_551 : i32
      %add3A_553 = arith.addi %mul3A_2, %mul3A_552 : i32
      %dma_start3A_554 = arith.constant 3 : i32
      %dma_start3A_555 = arith.constant 0 : i32
      %dma_start3A_556 = arith.constant 0 : i32
      %dma_start3A_557 = tpu.memref_slice %arg6[%dma_start3A_554, %dma_start3A_555, %dma_start3A_556] : memref<8x128x64xf32, #tpu.memory_space<vmem>> -> memref<1x128x64xf32, #tpu.memory_space<vmem>>
      %dma_start3A_558 = tpu.memref_squeeze %dma_start3A_557 : memref<1x128x64xf32, #tpu.memory_space<vmem>> -> memref<128x64xf32, #tpu.memory_space<vmem>>
      %dma_start3A_559 = arith.constant 0 : i32
      %dma_start3A_560 = tpu.memref_slice %arg4[%add3A_553, %dma_start3A_559] : memref<819200x64xf32, #tpu.memory_space<hbm>> -> memref<128x64xf32, #tpu.memory_space<hbm>>
      %dma_start3A_561 = arith.constant 0 : i32
      %dma_start3A_562 = tpu.memref_slice %arg4[%add3A_553, %dma_start3A_561] : memref<819200x64xf32, #tpu.memory_space<hbm>> -> memref<128x64xf32, #tpu.memory_space<hbm>>
      %dma_start3A_563 = arith.constant 0 : i32
      %dma_start3A_564 = arith.constant 0 : i32
      %dma_start3A_565 = tpu.memref_slice %arg6[%dma_start3A_554, %dma_start3A_563, %dma_start3A_564] : memref<8x128x64xf32, #tpu.memory_space<vmem>> -> memref<1x128x64xf32, #tpu.memory_space<vmem>>
      %dma_start3A_566 = tpu.memref_squeeze %dma_start3A_565 : memref<1x128x64xf32, #tpu.memory_space<vmem>> -> memref<128x64xf32, #tpu.memory_space<vmem>>
      tpu.enqueue_dma source(%dma_start3A_566 : memref<128x64xf32, #tpu.memory_space<vmem>>) target(%dma_start3A_562 : memref<128x64xf32, #tpu.memory_space<hbm>>) target_semaphore(%arg19 : memref<!tpu.dma_semaphore, #tpu.memory_space<semaphore_mem>>)
      %dma_wait3A_567 = arith.constant 0 : i32
      %dma_wait3A_568 = arith.constant 4 : i32
      %dma_wait3A_569 = arith.constant 0 : i32
      %dma_wait3A_570 = arith.constant 0 : i32
      %dma_wait3A_571 = tpu.memref_slice %arg6[%dma_wait3A_568, %dma_wait3A_569, %dma_wait3A_570] : memref<8x128x64xf32, #tpu.memory_space<vmem>> -> memref<1x128x64xf32, #tpu.memory_space<vmem>>
      %dma_wait3A_572 = tpu.memref_squeeze %dma_wait3A_571 : memref<1x128x64xf32, #tpu.memory_space<vmem>> -> memref<128x64xf32, #tpu.memory_space<vmem>>
      %dma_wait3A_573 = arith.constant 0 : i32
      %dma_wait3A_574 = tpu.memref_slice %arg5[%dma_wait3A_567, %dma_wait3A_573] : memref<200x128xi32, #tpu.memory_space<vmem>> -> memref<1x128xi32, #tpu.memory_space<vmem>>
      %dma_wait3A_575 = tpu.memref_squeeze %dma_wait3A_574 : memref<1x128xi32, #tpu.memory_space<vmem>> -> memref<128xi32, #tpu.memory_space<vmem>>
      %dma_wait3A_576 = arith.constant 0 : i32
      %dma_wait3A_577 = arith.constant 0 : i32
      %dma_wait3A_578 = tpu.memref_slice %arg3[%dma_wait3A_576, %dma_wait3A_577] : memref<1000000x64xf32, #tpu.memory_space<hbm>> -> memref<1000000x64xf32, #tpu.memory_space<hbm>>
      tpu.wait_indirect_dma semaphore(%arg12 : memref<!tpu.dma_semaphore, #tpu.memory_space<semaphore_mem>>) src(%dma_wait3A_578 : memref<1000000x64xf32, #tpu.memory_space<hbm>>) dst(%dma_wait3A_572 : memref<128x64xf32, #tpu.memory_space<vmem>>)
      %mul3A_579 = arith.constant 8 : i32
      %mul3A_580 = arith.muli %scan3A_438, %mul3A_579 : i32
      %add3A_581 = arith.constant 4 : i32
      %add3A_582 = arith.addi %mul3A_580, %add3A_581 : i32
      %mul3A_583 = arith.constant 128 : i32
      %mul3A_584 = arith.muli %add3A_582, %mul3A_583 : i32
      %add3A_585 = arith.addi %mul3A_2, %mul3A_584 : i32
      %dma_start3A_586 = arith.constant 4 : i32
      %dma_start3A_587 = arith.constant 0 : i32
      %dma_start3A_588 = arith.constant 0 : i32
      %dma_start3A_589 = tpu.memref_slice %arg6[%dma_start3A_586, %dma_start3A_587, %dma_start3A_588] : memref<8x128x64xf32, #tpu.memory_space<vmem>> -> memref<1x128x64xf32, #tpu.memory_space<vmem>>
      %dma_start3A_590 = tpu.memref_squeeze %dma_start3A_589 : memref<1x128x64xf32, #tpu.memory_space<vmem>> -> memref<128x64xf32, #tpu.memory_space<vmem>>
      %dma_start3A_591 = arith.constant 0 : i32
      %dma_start3A_592 = tpu.memref_slice %arg4[%add3A_585, %dma_start3A_591] : memref<819200x64xf32, #tpu.memory_space<hbm>> -> memref<128x64xf32, #tpu.memory_space<hbm>>
      %dma_start3A_593 = arith.constant 0 : i32
      %dma_start3A_594 = tpu.memref_slice %arg4[%add3A_585, %dma_start3A_593] : memref<819200x64xf32, #tpu.memory_space<hbm>> -> memref<128x64xf32, #tpu.memory_space<hbm>>
      %dma_start3A_595 = arith.constant 0 : i32
      %dma_start3A_596 = arith.constant 0 : i32
      %dma_start3A_597 = tpu.memref_slice %arg6[%dma_start3A_586, %dma_start3A_595, %dma_start3A_596] : memref<8x128x64xf32, #tpu.memory_space<vmem>> -> memref<1x128x64xf32, #tpu.memory_space<vmem>>
      %dma_start3A_598 = tpu.memref_squeeze %dma_start3A_597 : memref<1x128x64xf32, #tpu.memory_space<vmem>> -> memref<128x64xf32, #tpu.memory_space<vmem>>
      tpu.enqueue_dma source(%dma_start3A_598 : memref<128x64xf32, #tpu.memory_space<vmem>>) target(%dma_start3A_594 : memref<128x64xf32, #tpu.memory_space<hbm>>) target_semaphore(%arg20 : memref<!tpu.dma_semaphore, #tpu.memory_space<semaphore_mem>>)
      %dma_wait3A_599 = arith.constant 0 : i32
      %dma_wait3A_600 = arith.constant 5 : i32
      %dma_wait3A_601 = arith.constant 0 : i32
      %dma_wait3A_602 = arith.constant 0 : i32
      %dma_wait3A_603 = tpu.memref_slice %arg6[%dma_wait3A_600, %dma_wait3A_601, %dma_wait3A_602] : memref<8x128x64xf32, #tpu.memory_space<vmem>> -> memref<1x128x64xf32, #tpu.memory_space<vmem>>
      %dma_wait3A_604 = tpu.memref_squeeze %dma_wait3A_603 : memref<1x128x64xf32, #tpu.memory_space<vmem>> -> memref<128x64xf32, #tpu.memory_space<vmem>>
      %dma_wait3A_605 = arith.constant 0 : i32
      %dma_wait3A_606 = tpu.memref_slice %arg5[%dma_wait3A_599, %dma_wait3A_605] : memref<200x128xi32, #tpu.memory_space<vmem>> -> memref<1x128xi32, #tpu.memory_space<vmem>>
      %dma_wait3A_607 = tpu.memref_squeeze %dma_wait3A_606 : memref<1x128xi32, #tpu.memory_space<vmem>> -> memref<128xi32, #tpu.memory_space<vmem>>
      %dma_wait3A_608 = arith.constant 0 : i32
      %dma_wait3A_609 = arith.constant 0 : i32
      %dma_wait3A_610 = tpu.memref_slice %arg3[%dma_wait3A_608, %dma_wait3A_609] : memref<1000000x64xf32, #tpu.memory_space<hbm>> -> memref<1000000x64xf32, #tpu.memory_space<hbm>>
      tpu.wait_indirect_dma semaphore(%arg13 : memref<!tpu.dma_semaphore, #tpu.memory_space<semaphore_mem>>) src(%dma_wait3A_610 : memref<1000000x64xf32, #tpu.memory_space<hbm>>) dst(%dma_wait3A_604 : memref<128x64xf32, #tpu.memory_space<vmem>>)
      %mul3A_611 = arith.constant 8 : i32
      %mul3A_612 = arith.muli %scan3A_438, %mul3A_611 : i32
      %add3A_613 = arith.constant 5 : i32
      %add3A_614 = arith.addi %mul3A_612, %add3A_613 : i32
      %mul3A_615 = arith.constant 128 : i32
      %mul3A_616 = arith.muli %add3A_614, %mul3A_615 : i32
      %add3A_617 = arith.addi %mul3A_2, %mul3A_616 : i32
      %dma_start3A_618 = arith.constant 5 : i32
      %dma_start3A_619 = arith.constant 0 : i32
      %dma_start3A_620 = arith.constant 0 : i32
      %dma_start3A_621 = tpu.memref_slice %arg6[%dma_start3A_618, %dma_start3A_619, %dma_start3A_620] : memref<8x128x64xf32, #tpu.memory_space<vmem>> -> memref<1x128x64xf32, #tpu.memory_space<vmem>>
      %dma_start3A_622 = tpu.memref_squeeze %dma_start3A_621 : memref<1x128x64xf32, #tpu.memory_space<vmem>> -> memref<128x64xf32, #tpu.memory_space<vmem>>
      %dma_start3A_623 = arith.constant 0 : i32
      %dma_start3A_624 = tpu.memref_slice %arg4[%add3A_617, %dma_start3A_623] : memref<819200x64xf32, #tpu.memory_space<hbm>> -> memref<128x64xf32, #tpu.memory_space<hbm>>
      %dma_start3A_625 = arith.constant 0 : i32
      %dma_start3A_626 = tpu.memref_slice %arg4[%add3A_617, %dma_start3A_625] : memref<819200x64xf32, #tpu.memory_space<hbm>> -> memref<128x64xf32, #tpu.memory_space<hbm>>
      %dma_start3A_627 = arith.constant 0 : i32
      %dma_start3A_628 = arith.constant 0 : i32
      %dma_start3A_629 = tpu.memref_slice %arg6[%dma_start3A_618, %dma_start3A_627, %dma_start3A_628] : memref<8x128x64xf32, #tpu.memory_space<vmem>> -> memref<1x128x64xf32, #tpu.memory_space<vmem>>
      %dma_start3A_630 = tpu.memref_squeeze %dma_start3A_629 : memref<1x128x64xf32, #tpu.memory_space<vmem>> -> memref<128x64xf32, #tpu.memory_space<vmem>>
      tpu.enqueue_dma source(%dma_start3A_630 : memref<128x64xf32, #tpu.memory_space<vmem>>) target(%dma_start3A_626 : memref<128x64xf32, #tpu.memory_space<hbm>>) target_semaphore(%arg21 : memref<!tpu.dma_semaphore, #tpu.memory_space<semaphore_mem>>)
      %dma_wait3A_631 = arith.constant 0 : i32
      %dma_wait3A_632 = arith.constant 6 : i32
      %dma_wait3A_633 = arith.constant 0 : i32
      %dma_wait3A_634 = arith.constant 0 : i32
      %dma_wait3A_635 = tpu.memref_slice %arg6[%dma_wait3A_632, %dma_wait3A_633, %dma_wait3A_634] : memref<8x128x64xf32, #tpu.memory_space<vmem>> -> memref<1x128x64xf32, #tpu.memory_space<vmem>>
      %dma_wait3A_636 = tpu.memref_squeeze %dma_wait3A_635 : memref<1x128x64xf32, #tpu.memory_space<vmem>> -> memref<128x64xf32, #tpu.memory_space<vmem>>
      %dma_wait3A_637 = arith.constant 0 : i32
      %dma_wait3A_638 = tpu.memref_slice %arg5[%dma_wait3A_631, %dma_wait3A_637] : memref<200x128xi32, #tpu.memory_space<vmem>> -> memref<1x128xi32, #tpu.memory_space<vmem>>
      %dma_wait3A_639 = tpu.memref_squeeze %dma_wait3A_638 : memref<1x128xi32, #tpu.memory_space<vmem>> -> memref<128xi32, #tpu.memory_space<vmem>>
      %dma_wait3A_640 = arith.constant 0 : i32
      %dma_wait3A_641 = arith.constant 0 : i32
      %dma_wait3A_642 = tpu.memref_slice %arg3[%dma_wait3A_640, %dma_wait3A_641] : memref<1000000x64xf32, #tpu.memory_space<hbm>> -> memref<1000000x64xf32, #tpu.memory_space<hbm>>
      tpu.wait_indirect_dma semaphore(%arg14 : memref<!tpu.dma_semaphore, #tpu.memory_space<semaphore_mem>>) src(%dma_wait3A_642 : memref<1000000x64xf32, #tpu.memory_space<hbm>>) dst(%dma_wait3A_636 : memref<128x64xf32, #tpu.memory_space<vmem>>)
      %mul3A_643 = arith.constant 8 : i32
      %mul3A_644 = arith.muli %scan3A_438, %mul3A_643 : i32
      %add3A_645 = arith.constant 6 : i32
      %add3A_646 = arith.addi %mul3A_644, %add3A_645 : i32
      %mul3A_647 = arith.constant 128 : i32
      %mul3A_648 = arith.muli %add3A_646, %mul3A_647 : i32
      %add3A_649 = arith.addi %mul3A_2, %mul3A_648 : i32
      %dma_start3A_650 = arith.constant 6 : i32
      %dma_start3A_651 = arith.constant 0 : i32
      %dma_start3A_652 = arith.constant 0 : i32
      %dma_start3A_653 = tpu.memref_slice %arg6[%dma_start3A_650, %dma_start3A_651, %dma_start3A_652] : memref<8x128x64xf32, #tpu.memory_space<vmem>> -> memref<1x128x64xf32, #tpu.memory_space<vmem>>
      %dma_start3A_654 = tpu.memref_squeeze %dma_start3A_653 : memref<1x128x64xf32, #tpu.memory_space<vmem>> -> memref<128x64xf32, #tpu.memory_space<vmem>>
      %dma_start3A_655 = arith.constant 0 : i32
      %dma_start3A_656 = tpu.memref_slice %arg4[%add3A_649, %dma_start3A_655] : memref<819200x64xf32, #tpu.memory_space<hbm>> -> memref<128x64xf32, #tpu.memory_space<hbm>>
      %dma_start3A_657 = arith.constant 0 : i32
      %dma_start3A_658 = tpu.memref_slice %arg4[%add3A_649, %dma_start3A_657] : memref<819200x64xf32, #tpu.memory_space<hbm>> -> memref<128x64xf32, #tpu.memory_space<hbm>>
      %dma_start3A_659 = arith.constant 0 : i32
      %dma_start3A_660 = arith.constant 0 : i32
      %dma_start3A_661 = tpu.memref_slice %arg6[%dma_start3A_650, %dma_start3A_659, %dma_start3A_660] : memref<8x128x64xf32, #tpu.memory_space<vmem>> -> memref<1x128x64xf32, #tpu.memory_space<vmem>>
      %dma_start3A_662 = tpu.memref_squeeze %dma_start3A_661 : memref<1x128x64xf32, #tpu.memory_space<vmem>> -> memref<128x64xf32, #tpu.memory_space<vmem>>
      tpu.enqueue_dma source(%dma_start3A_662 : memref<128x64xf32, #tpu.memory_space<vmem>>) target(%dma_start3A_658 : memref<128x64xf32, #tpu.memory_space<hbm>>) target_semaphore(%arg22 : memref<!tpu.dma_semaphore, #tpu.memory_space<semaphore_mem>>)
      %dma_wait3A_663 = arith.constant 0 : i32
      %dma_wait3A_664 = arith.constant 7 : i32
      %dma_wait3A_665 = arith.constant 0 : i32
      %dma_wait3A_666 = arith.constant 0 : i32
      %dma_wait3A_667 = tpu.memref_slice %arg6[%dma_wait3A_664, %dma_wait3A_665, %dma_wait3A_666] : memref<8x128x64xf32, #tpu.memory_space<vmem>> -> memref<1x128x64xf32, #tpu.memory_space<vmem>>
      %dma_wait3A_668 = tpu.memref_squeeze %dma_wait3A_667 : memref<1x128x64xf32, #tpu.memory_space<vmem>> -> memref<128x64xf32, #tpu.memory_space<vmem>>
      %dma_wait3A_669 = arith.constant 0 : i32
      %dma_wait3A_670 = tpu.memref_slice %arg5[%dma_wait3A_663, %dma_wait3A_669] : memref<200x128xi32, #tpu.memory_space<vmem>> -> memref<1x128xi32, #tpu.memory_space<vmem>>
      %dma_wait3A_671 = tpu.memref_squeeze %dma_wait3A_670 : memref<1x128xi32, #tpu.memory_space<vmem>> -> memref<128xi32, #tpu.memory_space<vmem>>
      %dma_wait3A_672 = arith.constant 0 : i32
      %dma_wait3A_673 = arith.constant 0 : i32
      %dma_wait3A_674 = tpu.memref_slice %arg3[%dma_wait3A_672, %dma_wait3A_673] : memref<1000000x64xf32, #tpu.memory_space<hbm>> -> memref<1000000x64xf32, #tpu.memory_space<hbm>>
      tpu.wait_indirect_dma semaphore(%arg15 : memref<!tpu.dma_semaphore, #tpu.memory_space<semaphore_mem>>) src(%dma_wait3A_674 : memref<1000000x64xf32, #tpu.memory_space<hbm>>) dst(%dma_wait3A_668 : memref<128x64xf32, #tpu.memory_space<vmem>>)
      %mul3A_675 = arith.constant 8 : i32
      %mul3A_676 = arith.muli %scan3A_438, %mul3A_675 : i32
      %add3A_677 = arith.constant 7 : i32
      %add3A_678 = arith.addi %mul3A_676, %add3A_677 : i32
      %mul3A_679 = arith.constant 128 : i32
      %mul3A_680 = arith.muli %add3A_678, %mul3A_679 : i32
      %add3A_681 = arith.addi %mul3A_2, %mul3A_680 : i32
      %dma_start3A_682 = arith.constant 7 : i32
      %dma_start3A_683 = arith.constant 0 : i32
      %dma_start3A_684 = arith.constant 0 : i32
      %dma_start3A_685 = tpu.memref_slice %arg6[%dma_start3A_682, %dma_start3A_683, %dma_start3A_684] : memref<8x128x64xf32, #tpu.memory_space<vmem>> -> memref<1x128x64xf32, #tpu.memory_space<vmem>>
      %dma_start3A_686 = tpu.memref_squeeze %dma_start3A_685 : memref<1x128x64xf32, #tpu.memory_space<vmem>> -> memref<128x64xf32, #tpu.memory_space<vmem>>
      %dma_start3A_687 = arith.constant 0 : i32
      %dma_start3A_688 = tpu.memref_slice %arg4[%add3A_681, %dma_start3A_687] : memref<819200x64xf32, #tpu.memory_space<hbm>> -> memref<128x64xf32, #tpu.memory_space<hbm>>
      %dma_start3A_689 = arith.constant 0 : i32
      %dma_start3A_690 = tpu.memref_slice %arg4[%add3A_681, %dma_start3A_689] : memref<819200x64xf32, #tpu.memory_space<hbm>> -> memref<128x64xf32, #tpu.memory_space<hbm>>
      %dma_start3A_691 = arith.constant 0 : i32
      %dma_start3A_692 = arith.constant 0 : i32
      %dma_start3A_693 = tpu.memref_slice %arg6[%dma_start3A_682, %dma_start3A_691, %dma_start3A_692] : memref<8x128x64xf32, #tpu.memory_space<vmem>> -> memref<1x128x64xf32, #tpu.memory_space<vmem>>
      %dma_start3A_694 = tpu.memref_squeeze %dma_start3A_693 : memref<1x128x64xf32, #tpu.memory_space<vmem>> -> memref<128x64xf32, #tpu.memory_space<vmem>>
      tpu.enqueue_dma source(%dma_start3A_694 : memref<128x64xf32, #tpu.memory_space<vmem>>) target(%dma_start3A_690 : memref<128x64xf32, #tpu.memory_space<hbm>>) target_semaphore(%arg23 : memref<!tpu.dma_semaphore, #tpu.memory_space<semaphore_mem>>)
      %dma_wait3A_695 = arith.constant 0 : i32
      %dma_wait3A_696 = arith.constant 0 : i32
      %dma_wait3A_697 = arith.constant 0 : i32
      %dma_wait3A_698 = tpu.memref_slice %arg6[%dma_wait3A_695, %dma_wait3A_696, %dma_wait3A_697] : memref<8x128x64xf32, #tpu.memory_space<vmem>> -> memref<1x128x64xf32, #tpu.memory_space<vmem>>
      %dma_wait3A_699 = tpu.memref_squeeze %dma_wait3A_698 : memref<1x128x64xf32, #tpu.memory_space<vmem>> -> memref<128x64xf32, #tpu.memory_space<vmem>>
      %dma_wait3A_700 = arith.constant 0 : i32
      %dma_wait3A_701 = tpu.memref_slice %arg4[%mul3A_2, %dma_wait3A_700] : memref<819200x64xf32, #tpu.memory_space<hbm>> -> memref<128x64xf32, #tpu.memory_space<hbm>>
      %dma_wait3A_702 = arith.constant 0 : i32
      %dma_wait3A_703 = tpu.memref_slice %arg4[%mul3A_2, %dma_wait3A_702] : memref<819200x64xf32, #tpu.memory_space<hbm>> -> memref<128x64xf32, #tpu.memory_space<hbm>>
      %dma_wait3A_704 = arith.constant 0 : i32
      %dma_wait3A_705 = arith.constant 0 : i32
      %dma_wait3A_706 = tpu.memref_slice %arg6[%dma_wait3A_695, %dma_wait3A_704, %dma_wait3A_705] : memref<8x128x64xf32, #tpu.memory_space<vmem>> -> memref<1x128x64xf32, #tpu.memory_space<vmem>>
      %dma_wait3A_707 = tpu.memref_squeeze %dma_wait3A_706 : memref<1x128x64xf32, #tpu.memory_space<vmem>> -> memref<128x64xf32, #tpu.memory_space<vmem>>
      tpu.wait_dma2 semaphore(%arg16 : memref<!tpu.dma_semaphore, #tpu.memory_space<semaphore_mem>>) src(%dma_wait3A_707 : memref<128x64xf32, #tpu.memory_space<vmem>>) dst(%dma_wait3A_703 : memref<128x64xf32, #tpu.memory_space<hbm>>)
      %add3A_708 = arith.constant 1 : i32
      %add3A_709 = arith.addi %scan3A_438, %add3A_708 : i32
      %mul3A_710 = arith.constant 8 : i32
      %mul3A_711 = arith.muli %add3A_709, %mul3A_710 : i32
      %add3A_712 = arith.constant 0 : i32
      %add3A_713 = arith.addi %mul3A_711, %add3A_712 : i32
      %dma_start3A_714 = arith.constant 0 : i32
      %dma_start3A_715 = arith.constant 0 : i32
      %dma_start3A_716 = arith.constant 0 : i32
      %dma_start3A_717 = tpu.memref_slice %arg6[%dma_start3A_714, %dma_start3A_715, %dma_start3A_716] : memref<8x128x64xf32, #tpu.memory_space<vmem>> -> memref<1x128x64xf32, #tpu.memory_space<vmem>>
      %dma_start3A_718 = tpu.memref_squeeze %dma_start3A_717 : memref<1x128x64xf32, #tpu.memory_space<vmem>> -> memref<128x64xf32, #tpu.memory_space<vmem>>
      %dma_start3A_719 = arith.constant 0 : i32
      %dma_start3A_720 = tpu.memref_slice %arg5[%add3A_713, %dma_start3A_719] : memref<200x128xi32, #tpu.memory_space<vmem>> -> memref<1x128xi32, #tpu.memory_space<vmem>>
      %dma_start3A_721 = tpu.memref_squeeze %dma_start3A_720 : memref<1x128xi32, #tpu.memory_space<vmem>> -> memref<128xi32, #tpu.memory_space<vmem>>
      %dma_start3A_722 = arith.constant 0 : i32
      %dma_start3A_723 = arith.constant 0 : i32
      %dma_start3A_724 = tpu.memref_slice %arg3[%dma_start3A_722, %dma_start3A_723] : memref<1000000x64xf32, #tpu.memory_space<hbm>> -> memref<1000000x64xf32, #tpu.memory_space<hbm>>
      tpu.enqueue_indirect_dma source(%dma_start3A_724 : memref<1000000x64xf32, #tpu.memory_space<hbm>>) target(%dma_start3A_718 : memref<128x64xf32, #tpu.memory_space<vmem>>) offsets(%dma_start3A_721 : memref<128xi32, #tpu.memory_space<vmem>>) semaphore(%arg8 : memref<!tpu.dma_semaphore, #tpu.memory_space<semaphore_mem>>)
      %dma_wait3A_725 = arith.constant 1 : i32
      %dma_wait3A_726 = arith.constant 0 : i32
      %dma_wait3A_727 = arith.constant 0 : i32
      %dma_wait3A_728 = tpu.memref_slice %arg6[%dma_wait3A_725, %dma_wait3A_726, %dma_wait3A_727] : memref<8x128x64xf32, #tpu.memory_space<vmem>> -> memref<1x128x64xf32, #tpu.memory_space<vmem>>
      %dma_wait3A_729 = tpu.memref_squeeze %dma_wait3A_728 : memref<1x128x64xf32, #tpu.memory_space<vmem>> -> memref<128x64xf32, #tpu.memory_space<vmem>>
      %dma_wait3A_730 = arith.constant 0 : i32
      %dma_wait3A_731 = tpu.memref_slice %arg4[%mul3A_2, %dma_wait3A_730] : memref<819200x64xf32, #tpu.memory_space<hbm>> -> memref<128x64xf32, #tpu.memory_space<hbm>>
      %dma_wait3A_732 = arith.constant 0 : i32
      %dma_wait3A_733 = tpu.memref_slice %arg4[%mul3A_2, %dma_wait3A_732] : memref<819200x64xf32, #tpu.memory_space<hbm>> -> memref<128x64xf32, #tpu.memory_space<hbm>>
      %dma_wait3A_734 = arith.constant 0 : i32
      %dma_wait3A_735 = arith.constant 0 : i32
      %dma_wait3A_736 = tpu.memref_slice %arg6[%dma_wait3A_725, %dma_wait3A_734, %dma_wait3A_735] : memref<8x128x64xf32, #tpu.memory_space<vmem>> -> memref<1x128x64xf32, #tpu.memory_space<vmem>>
      %dma_wait3A_737 = tpu.memref_squeeze %dma_wait3A_736 : memref<1x128x64xf32, #tpu.memory_space<vmem>> -> memref<128x64xf32, #tpu.memory_space<vmem>>
      tpu.wait_dma2 semaphore(%arg17 : memref<!tpu.dma_semaphore, #tpu.memory_space<semaphore_mem>>) src(%dma_wait3A_737 : memref<128x64xf32, #tpu.memory_space<vmem>>) dst(%dma_wait3A_733 : memref<128x64xf32, #tpu.memory_space<hbm>>)
      %add3A_738 = arith.constant 1 : i32
      %add3A_739 = arith.addi %scan3A_438, %add3A_738 : i32
      %mul3A_740 = arith.constant 8 : i32
      %mul3A_741 = arith.muli %add3A_739, %mul3A_740 : i32
      %add3A_742 = arith.constant 1 : i32
      %add3A_743 = arith.addi %mul3A_741, %add3A_742 : i32
      %dma_start3A_744 = arith.constant 1 : i32
      %dma_start3A_745 = arith.constant 0 : i32
      %dma_start3A_746 = arith.constant 0 : i32
      %dma_start3A_747 = tpu.memref_slice %arg6[%dma_start3A_744, %dma_start3A_745, %dma_start3A_746] : memref<8x128x64xf32, #tpu.memory_space<vmem>> -> memref<1x128x64xf32, #tpu.memory_space<vmem>>
      %dma_start3A_748 = tpu.memref_squeeze %dma_start3A_747 : memref<1x128x64xf32, #tpu.memory_space<vmem>> -> memref<128x64xf32, #tpu.memory_space<vmem>>
      %dma_start3A_749 = arith.constant 0 : i32
      %dma_start3A_750 = tpu.memref_slice %arg5[%add3A_743, %dma_start3A_749] : memref<200x128xi32, #tpu.memory_space<vmem>> -> memref<1x128xi32, #tpu.memory_space<vmem>>
      %dma_start3A_751 = tpu.memref_squeeze %dma_start3A_750 : memref<1x128xi32, #tpu.memory_space<vmem>> -> memref<128xi32, #tpu.memory_space<vmem>>
      %dma_start3A_752 = arith.constant 0 : i32
      %dma_start3A_753 = arith.constant 0 : i32
      %dma_start3A_754 = tpu.memref_slice %arg3[%dma_start3A_752, %dma_start3A_753] : memref<1000000x64xf32, #tpu.memory_space<hbm>> -> memref<1000000x64xf32, #tpu.memory_space<hbm>>
      tpu.enqueue_indirect_dma source(%dma_start3A_754 : memref<1000000x64xf32, #tpu.memory_space<hbm>>) target(%dma_start3A_748 : memref<128x64xf32, #tpu.memory_space<vmem>>) offsets(%dma_start3A_751 : memref<128xi32, #tpu.memory_space<vmem>>) semaphore(%arg9 : memref<!tpu.dma_semaphore, #tpu.memory_space<semaphore_mem>>)
      %dma_wait3A_755 = arith.constant 2 : i32
      %dma_wait3A_756 = arith.constant 0 : i32
      %dma_wait3A_757 = arith.constant 0 : i32
      %dma_wait3A_758 = tpu.memref_slice %arg6[%dma_wait3A_755, %dma_wait3A_756, %dma_wait3A_757] : memref<8x128x64xf32, #tpu.memory_space<vmem>> -> memref<1x128x64xf32, #tpu.memory_space<vmem>>
      %dma_wait3A_759 = tpu.memref_squeeze %dma_wait3A_758 : memref<1x128x64xf32, #tpu.memory_space<vmem>> -> memref<128x64xf32, #tpu.memory_space<vmem>>
      %dma_wait3A_760 = arith.constant 0 : i32
      %dma_wait3A_761 = tpu.memref_slice %arg4[%mul3A_2, %dma_wait3A_760] : memref<819200x64xf32, #tpu.memory_space<hbm>> -> memref<128x64xf32, #tpu.memory_space<hbm>>
      %dma_wait3A_762 = arith.constant 0 : i32
      %dma_wait3A_763 = tpu.memref_slice %arg4[%mul3A_2, %dma_wait3A_762] : memref<819200x64xf32, #tpu.memory_space<hbm>> -> memref<128x64xf32, #tpu.memory_space<hbm>>
      %dma_wait3A_764 = arith.constant 0 : i32
      %dma_wait3A_765 = arith.constant 0 : i32
      %dma_wait3A_766 = tpu.memref_slice %arg6[%dma_wait3A_755, %dma_wait3A_764, %dma_wait3A_765] : memref<8x128x64xf32, #tpu.memory_space<vmem>> -> memref<1x128x64xf32, #tpu.memory_space<vmem>>
      %dma_wait3A_767 = tpu.memref_squeeze %dma_wait3A_766 : memref<1x128x64xf32, #tpu.memory_space<vmem>> -> memref<128x64xf32, #tpu.memory_space<vmem>>
      tpu.wait_dma2 semaphore(%arg18 : memref<!tpu.dma_semaphore, #tpu.memory_space<semaphore_mem>>) src(%dma_wait3A_767 : memref<128x64xf32, #tpu.memory_space<vmem>>) dst(%dma_wait3A_763 : memref<128x64xf32, #tpu.memory_space<hbm>>)
      %add3A_768 = arith.constant 1 : i32
      %add3A_769 = arith.addi %scan3A_438, %add3A_768 : i32
      %mul3A_770 = arith.constant 8 : i32
      %mul3A_771 = arith.muli %add3A_769, %mul3A_770 : i32
      %add3A_772 = arith.constant 2 : i32
      %add3A_773 = arith.addi %mul3A_771, %add3A_772 : i32
      %dma_start3A_774 = arith.constant 2 : i32
      %dma_start3A_775 = arith.constant 0 : i32
      %dma_start3A_776 = arith.constant 0 : i32
      %dma_start3A_777 = tpu.memref_slice %arg6[%dma_start3A_774, %dma_start3A_775, %dma_start3A_776] : memref<8x128x64xf32, #tpu.memory_space<vmem>> -> memref<1x128x64xf32, #tpu.memory_space<vmem>>
      %dma_start3A_778 = tpu.memref_squeeze %dma_start3A_777 : memref<1x128x64xf32, #tpu.memory_space<vmem>> -> memref<128x64xf32, #tpu.memory_space<vmem>>
      %dma_start3A_779 = arith.constant 0 : i32
      %dma_start3A_780 = tpu.memref_slice %arg5[%add3A_773, %dma_start3A_779] : memref<200x128xi32, #tpu.memory_space<vmem>> -> memref<1x128xi32, #tpu.memory_space<vmem>>
      %dma_start3A_781 = tpu.memref_squeeze %dma_start3A_780 : memref<1x128xi32, #tpu.memory_space<vmem>> -> memref<128xi32, #tpu.memory_space<vmem>>
      %dma_start3A_782 = arith.constant 0 : i32
      %dma_start3A_783 = arith.constant 0 : i32
      %dma_start3A_784 = tpu.memref_slice %arg3[%dma_start3A_782, %dma_start3A_783] : memref<1000000x64xf32, #tpu.memory_space<hbm>> -> memref<1000000x64xf32, #tpu.memory_space<hbm>>
      tpu.enqueue_indirect_dma source(%dma_start3A_784 : memref<1000000x64xf32, #tpu.memory_space<hbm>>) target(%dma_start3A_778 : memref<128x64xf32, #tpu.memory_space<vmem>>) offsets(%dma_start3A_781 : memref<128xi32, #tpu.memory_space<vmem>>) semaphore(%arg10 : memref<!tpu.dma_semaphore, #tpu.memory_space<semaphore_mem>>)
      %dma_wait3A_785 = arith.constant 3 : i32
      %dma_wait3A_786 = arith.constant 0 : i32
      %dma_wait3A_787 = arith.constant 0 : i32
      %dma_wait3A_788 = tpu.memref_slice %arg6[%dma_wait3A_785, %dma_wait3A_786, %dma_wait3A_787] : memref<8x128x64xf32, #tpu.memory_space<vmem>> -> memref<1x128x64xf32, #tpu.memory_space<vmem>>
      %dma_wait3A_789 = tpu.memref_squeeze %dma_wait3A_788 : memref<1x128x64xf32, #tpu.memory_space<vmem>> -> memref<128x64xf32, #tpu.memory_space<vmem>>
      %dma_wait3A_790 = arith.constant 0 : i32
      %dma_wait3A_791 = tpu.memref_slice %arg4[%mul3A_2, %dma_wait3A_790] : memref<819200x64xf32, #tpu.memory_space<hbm>> -> memref<128x64xf32, #tpu.memory_space<hbm>>
      %dma_wait3A_792 = arith.constant 0 : i32
      %dma_wait3A_793 = tpu.memref_slice %arg4[%mul3A_2, %dma_wait3A_792] : memref<819200x64xf32, #tpu.memory_space<hbm>> -> memref<128x64xf32, #tpu.memory_space<hbm>>
      %dma_wait3A_794 = arith.constant 0 : i32
      %dma_wait3A_795 = arith.constant 0 : i32
      %dma_wait3A_796 = tpu.memref_slice %arg6[%dma_wait3A_785, %dma_wait3A_794, %dma_wait3A_795] : memref<8x128x64xf32, #tpu.memory_space<vmem>> -> memref<1x128x64xf32, #tpu.memory_space<vmem>>
      %dma_wait3A_797 = tpu.memref_squeeze %dma_wait3A_796 : memref<1x128x64xf32, #tpu.memory_space<vmem>> -> memref<128x64xf32, #tpu.memory_space<vmem>>
      tpu.wait_dma2 semaphore(%arg19 : memref<!tpu.dma_semaphore, #tpu.memory_space<semaphore_mem>>) src(%dma_wait3A_797 : memref<128x64xf32, #tpu.memory_space<vmem>>) dst(%dma_wait3A_793 : memref<128x64xf32, #tpu.memory_space<hbm>>)
      %add3A_798 = arith.constant 1 : i32
      %add3A_799 = arith.addi %scan3A_438, %add3A_798 : i32
      %mul3A_800 = arith.constant 8 : i32
      %mul3A_801 = arith.muli %add3A_799, %mul3A_800 : i32
      %add3A_802 = arith.constant 3 : i32
      %add3A_803 = arith.addi %mul3A_801, %add3A_802 : i32
      %dma_start3A_804 = arith.constant 3 : i32
      %dma_start3A_805 = arith.constant 0 : i32
      %dma_start3A_806 = arith.constant 0 : i32
      %dma_start3A_807 = tpu.memref_slice %arg6[%dma_start3A_804, %dma_start3A_805, %dma_start3A_806] : memref<8x128x64xf32, #tpu.memory_space<vmem>> -> memref<1x128x64xf32, #tpu.memory_space<vmem>>
      %dma_start3A_808 = tpu.memref_squeeze %dma_start3A_807 : memref<1x128x64xf32, #tpu.memory_space<vmem>> -> memref<128x64xf32, #tpu.memory_space<vmem>>
      %dma_start3A_809 = arith.constant 0 : i32
      %dma_start3A_810 = tpu.memref_slice %arg5[%add3A_803, %dma_start3A_809] : memref<200x128xi32, #tpu.memory_space<vmem>> -> memref<1x128xi32, #tpu.memory_space<vmem>>
      %dma_start3A_811 = tpu.memref_squeeze %dma_start3A_810 : memref<1x128xi32, #tpu.memory_space<vmem>> -> memref<128xi32, #tpu.memory_space<vmem>>
      %dma_start3A_812 = arith.constant 0 : i32
      %dma_start3A_813 = arith.constant 0 : i32
      %dma_start3A_814 = tpu.memref_slice %arg3[%dma_start3A_812, %dma_start3A_813] : memref<1000000x64xf32, #tpu.memory_space<hbm>> -> memref<1000000x64xf32, #tpu.memory_space<hbm>>
      tpu.enqueue_indirect_dma source(%dma_start3A_814 : memref<1000000x64xf32, #tpu.memory_space<hbm>>) target(%dma_start3A_808 : memref<128x64xf32, #tpu.memory_space<vmem>>) offsets(%dma_start3A_811 : memref<128xi32, #tpu.memory_space<vmem>>) semaphore(%arg11 : memref<!tpu.dma_semaphore, #tpu.memory_space<semaphore_mem>>)
      %dma_wait3A_815 = arith.constant 4 : i32
      %dma_wait3A_816 = arith.constant 0 : i32
      %dma_wait3A_817 = arith.constant 0 : i32
      %dma_wait3A_818 = tpu.memref_slice %arg6[%dma_wait3A_815, %dma_wait3A_816, %dma_wait3A_817] : memref<8x128x64xf32, #tpu.memory_space<vmem>> -> memref<1x128x64xf32, #tpu.memory_space<vmem>>
      %dma_wait3A_819 = tpu.memref_squeeze %dma_wait3A_818 : memref<1x128x64xf32, #tpu.memory_space<vmem>> -> memref<128x64xf32, #tpu.memory_space<vmem>>
      %dma_wait3A_820 = arith.constant 0 : i32
      %dma_wait3A_821 = tpu.memref_slice %arg4[%mul3A_2, %dma_wait3A_820] : memref<819200x64xf32, #tpu.memory_space<hbm>> -> memref<128x64xf32, #tpu.memory_space<hbm>>
      %dma_wait3A_822 = arith.constant 0 : i32
      %dma_wait3A_823 = tpu.memref_slice %arg4[%mul3A_2, %dma_wait3A_822] : memref<819200x64xf32, #tpu.memory_space<hbm>> -> memref<128x64xf32, #tpu.memory_space<hbm>>
      %dma_wait3A_824 = arith.constant 0 : i32
      %dma_wait3A_825 = arith.constant 0 : i32
      %dma_wait3A_826 = tpu.memref_slice %arg6[%dma_wait3A_815, %dma_wait3A_824, %dma_wait3A_825] : memref<8x128x64xf32, #tpu.memory_space<vmem>> -> memref<1x128x64xf32, #tpu.memory_space<vmem>>
      %dma_wait3A_827 = tpu.memref_squeeze %dma_wait3A_826 : memref<1x128x64xf32, #tpu.memory_space<vmem>> -> memref<128x64xf32, #tpu.memory_space<vmem>>
      tpu.wait_dma2 semaphore(%arg20 : memref<!tpu.dma_semaphore, #tpu.memory_space<semaphore_mem>>) src(%dma_wait3A_827 : memref<128x64xf32, #tpu.memory_space<vmem>>) dst(%dma_wait3A_823 : memref<128x64xf32, #tpu.memory_space<hbm>>)
      %add3A_828 = arith.constant 1 : i32
      %add3A_829 = arith.addi %scan3A_438, %add3A_828 : i32
      %mul3A_830 = arith.constant 8 : i32
      %mul3A_831 = arith.muli %add3A_829, %mul3A_830 : i32
      %add3A_832 = arith.constant 4 : i32
      %add3A_833 = arith.addi %mul3A_831, %add3A_832 : i32
      %dma_start3A_834 = arith.constant 4 : i32
      %dma_start3A_835 = arith.constant 0 : i32
      %dma_start3A_836 = arith.constant 0 : i32
      %dma_start3A_837 = tpu.memref_slice %arg6[%dma_start3A_834, %dma_start3A_835, %dma_start3A_836] : memref<8x128x64xf32, #tpu.memory_space<vmem>> -> memref<1x128x64xf32, #tpu.memory_space<vmem>>
      %dma_start3A_838 = tpu.memref_squeeze %dma_start3A_837 : memref<1x128x64xf32, #tpu.memory_space<vmem>> -> memref<128x64xf32, #tpu.memory_space<vmem>>
      %dma_start3A_839 = arith.constant 0 : i32
      %dma_start3A_840 = tpu.memref_slice %arg5[%add3A_833, %dma_start3A_839] : memref<200x128xi32, #tpu.memory_space<vmem>> -> memref<1x128xi32, #tpu.memory_space<vmem>>
      %dma_start3A_841 = tpu.memref_squeeze %dma_start3A_840 : memref<1x128xi32, #tpu.memory_space<vmem>> -> memref<128xi32, #tpu.memory_space<vmem>>
      %dma_start3A_842 = arith.constant 0 : i32
      %dma_start3A_843 = arith.constant 0 : i32
      %dma_start3A_844 = tpu.memref_slice %arg3[%dma_start3A_842, %dma_start3A_843] : memref<1000000x64xf32, #tpu.memory_space<hbm>> -> memref<1000000x64xf32, #tpu.memory_space<hbm>>
      tpu.enqueue_indirect_dma source(%dma_start3A_844 : memref<1000000x64xf32, #tpu.memory_space<hbm>>) target(%dma_start3A_838 : memref<128x64xf32, #tpu.memory_space<vmem>>) offsets(%dma_start3A_841 : memref<128xi32, #tpu.memory_space<vmem>>) semaphore(%arg12 : memref<!tpu.dma_semaphore, #tpu.memory_space<semaphore_mem>>)
      %dma_wait3A_845 = arith.constant 5 : i32
      %dma_wait3A_846 = arith.constant 0 : i32
      %dma_wait3A_847 = arith.constant 0 : i32
      %dma_wait3A_848 = tpu.memref_slice %arg6[%dma_wait3A_845, %dma_wait3A_846, %dma_wait3A_847] : memref<8x128x64xf32, #tpu.memory_space<vmem>> -> memref<1x128x64xf32, #tpu.memory_space<vmem>>
      %dma_wait3A_849 = tpu.memref_squeeze %dma_wait3A_848 : memref<1x128x64xf32, #tpu.memory_space<vmem>> -> memref<128x64xf32, #tpu.memory_space<vmem>>
      %dma_wait3A_850 = arith.constant 0 : i32
      %dma_wait3A_851 = tpu.memref_slice %arg4[%mul3A_2, %dma_wait3A_850] : memref<819200x64xf32, #tpu.memory_space<hbm>> -> memref<128x64xf32, #tpu.memory_space<hbm>>
      %dma_wait3A_852 = arith.constant 0 : i32
      %dma_wait3A_853 = tpu.memref_slice %arg4[%mul3A_2, %dma_wait3A_852] : memref<819200x64xf32, #tpu.memory_space<hbm>> -> memref<128x64xf32, #tpu.memory_space<hbm>>
      %dma_wait3A_854 = arith.constant 0 : i32
      %dma_wait3A_855 = arith.constant 0 : i32
      %dma_wait3A_856 = tpu.memref_slice %arg6[%dma_wait3A_845, %dma_wait3A_854, %dma_wait3A_855] : memref<8x128x64xf32, #tpu.memory_space<vmem>> -> memref<1x128x64xf32, #tpu.memory_space<vmem>>
      %dma_wait3A_857 = tpu.memref_squeeze %dma_wait3A_856 : memref<1x128x64xf32, #tpu.memory_space<vmem>> -> memref<128x64xf32, #tpu.memory_space<vmem>>
      tpu.wait_dma2 semaphore(%arg21 : memref<!tpu.dma_semaphore, #tpu.memory_space<semaphore_mem>>) src(%dma_wait3A_857 : memref<128x64xf32, #tpu.memory_space<vmem>>) dst(%dma_wait3A_853 : memref<128x64xf32, #tpu.memory_space<hbm>>)
      %add3A_858 = arith.constant 1 : i32
      %add3A_859 = arith.addi %scan3A_438, %add3A_858 : i32
      %mul3A_860 = arith.constant 8 : i32
      %mul3A_861 = arith.muli %add3A_859, %mul3A_860 : i32
      %add3A_862 = arith.constant 5 : i32
      %add3A_863 = arith.addi %mul3A_861, %add3A_862 : i32
      %dma_start3A_864 = arith.constant 5 : i32
      %dma_start3A_865 = arith.constant 0 : i32
      %dma_start3A_866 = arith.constant 0 : i32
      %dma_start3A_867 = tpu.memref_slice %arg6[%dma_start3A_864, %dma_start3A_865, %dma_start3A_866] : memref<8x128x64xf32, #tpu.memory_space<vmem>> -> memref<1x128x64xf32, #tpu.memory_space<vmem>>
      %dma_start3A_868 = tpu.memref_squeeze %dma_start3A_867 : memref<1x128x64xf32, #tpu.memory_space<vmem>> -> memref<128x64xf32, #tpu.memory_space<vmem>>
      %dma_start3A_869 = arith.constant 0 : i32
      %dma_start3A_870 = tpu.memref_slice %arg5[%add3A_863, %dma_start3A_869] : memref<200x128xi32, #tpu.memory_space<vmem>> -> memref<1x128xi32, #tpu.memory_space<vmem>>
      %dma_start3A_871 = tpu.memref_squeeze %dma_start3A_870 : memref<1x128xi32, #tpu.memory_space<vmem>> -> memref<128xi32, #tpu.memory_space<vmem>>
      %dma_start3A_872 = arith.constant 0 : i32
      %dma_start3A_873 = arith.constant 0 : i32
      %dma_start3A_874 = tpu.memref_slice %arg3[%dma_start3A_872, %dma_start3A_873] : memref<1000000x64xf32, #tpu.memory_space<hbm>> -> memref<1000000x64xf32, #tpu.memory_space<hbm>>
      tpu.enqueue_indirect_dma source(%dma_start3A_874 : memref<1000000x64xf32, #tpu.memory_space<hbm>>) target(%dma_start3A_868 : memref<128x64xf32, #tpu.memory_space<vmem>>) offsets(%dma_start3A_871 : memref<128xi32, #tpu.memory_space<vmem>>) semaphore(%arg13 : memref<!tpu.dma_semaphore, #tpu.memory_space<semaphore_mem>>)
      %dma_wait3A_875 = arith.constant 6 : i32
      %dma_wait3A_876 = arith.constant 0 : i32
      %dma_wait3A_877 = arith.constant 0 : i32
      %dma_wait3A_878 = tpu.memref_slice %arg6[%dma_wait3A_875, %dma_wait3A_876, %dma_wait3A_877] : memref<8x128x64xf32, #tpu.memory_space<vmem>> -> memref<1x128x64xf32, #tpu.memory_space<vmem>>
      %dma_wait3A_879 = tpu.memref_squeeze %dma_wait3A_878 : memref<1x128x64xf32, #tpu.memory_space<vmem>> -> memref<128x64xf32, #tpu.memory_space<vmem>>
      %dma_wait3A_880 = arith.constant 0 : i32
      %dma_wait3A_881 = tpu.memref_slice %arg4[%mul3A_2, %dma_wait3A_880] : memref<819200x64xf32, #tpu.memory_space<hbm>> -> memref<128x64xf32, #tpu.memory_space<hbm>>
      %dma_wait3A_882 = arith.constant 0 : i32
      %dma_wait3A_883 = tpu.memref_slice %arg4[%mul3A_2, %dma_wait3A_882] : memref<819200x64xf32, #tpu.memory_space<hbm>> -> memref<128x64xf32, #tpu.memory_space<hbm>>
      %dma_wait3A_884 = arith.constant 0 : i32
      %dma_wait3A_885 = arith.constant 0 : i32
      %dma_wait3A_886 = tpu.memref_slice %arg6[%dma_wait3A_875, %dma_wait3A_884, %dma_wait3A_885] : memref<8x128x64xf32, #tpu.memory_space<vmem>> -> memref<1x128x64xf32, #tpu.memory_space<vmem>>
      %dma_wait3A_887 = tpu.memref_squeeze %dma_wait3A_886 : memref<1x128x64xf32, #tpu.memory_space<vmem>> -> memref<128x64xf32, #tpu.memory_space<vmem>>
      tpu.wait_dma2 semaphore(%arg22 : memref<!tpu.dma_semaphore, #tpu.memory_space<semaphore_mem>>) src(%dma_wait3A_887 : memref<128x64xf32, #tpu.memory_space<vmem>>) dst(%dma_wait3A_883 : memref<128x64xf32, #tpu.memory_space<hbm>>)
      %add3A_888 = arith.constant 1 : i32
      %add3A_889 = arith.addi %scan3A_438, %add3A_888 : i32
      %mul3A_890 = arith.constant 8 : i32
      %mul3A_891 = arith.muli %add3A_889, %mul3A_890 : i32
      %add3A_892 = arith.constant 6 : i32
      %add3A_893 = arith.addi %mul3A_891, %add3A_892 : i32
      %dma_start3A_894 = arith.constant 6 : i32
      %dma_start3A_895 = arith.constant 0 : i32
      %dma_start3A_896 = arith.constant 0 : i32
      %dma_start3A_897 = tpu.memref_slice %arg6[%dma_start3A_894, %dma_start3A_895, %dma_start3A_896] : memref<8x128x64xf32, #tpu.memory_space<vmem>> -> memref<1x128x64xf32, #tpu.memory_space<vmem>>
      %dma_start3A_898 = tpu.memref_squeeze %dma_start3A_897 : memref<1x128x64xf32, #tpu.memory_space<vmem>> -> memref<128x64xf32, #tpu.memory_space<vmem>>
      %dma_start3A_899 = arith.constant 0 : i32
      %dma_start3A_900 = tpu.memref_slice %arg5[%add3A_893, %dma_start3A_899] : memref<200x128xi32, #tpu.memory_space<vmem>> -> memref<1x128xi32, #tpu.memory_space<vmem>>
      %dma_start3A_901 = tpu.memref_squeeze %dma_start3A_900 : memref<1x128xi32, #tpu.memory_space<vmem>> -> memref<128xi32, #tpu.memory_space<vmem>>
      %dma_start3A_902 = arith.constant 0 : i32
      %dma_start3A_903 = arith.constant 0 : i32
      %dma_start3A_904 = tpu.memref_slice %arg3[%dma_start3A_902, %dma_start3A_903] : memref<1000000x64xf32, #tpu.memory_space<hbm>> -> memref<1000000x64xf32, #tpu.memory_space<hbm>>
      tpu.enqueue_indirect_dma source(%dma_start3A_904 : memref<1000000x64xf32, #tpu.memory_space<hbm>>) target(%dma_start3A_898 : memref<128x64xf32, #tpu.memory_space<vmem>>) offsets(%dma_start3A_901 : memref<128xi32, #tpu.memory_space<vmem>>) semaphore(%arg14 : memref<!tpu.dma_semaphore, #tpu.memory_space<semaphore_mem>>)
      %dma_wait3A_905 = arith.constant 7 : i32
      %dma_wait3A_906 = arith.constant 0 : i32
      %dma_wait3A_907 = arith.constant 0 : i32
      %dma_wait3A_908 = tpu.memref_slice %arg6[%dma_wait3A_905, %dma_wait3A_906, %dma_wait3A_907] : memref<8x128x64xf32, #tpu.memory_space<vmem>> -> memref<1x128x64xf32, #tpu.memory_space<vmem>>
      %dma_wait3A_909 = tpu.memref_squeeze %dma_wait3A_908 : memref<1x128x64xf32, #tpu.memory_space<vmem>> -> memref<128x64xf32, #tpu.memory_space<vmem>>
      %dma_wait3A_910 = arith.constant 0 : i32
      %dma_wait3A_911 = tpu.memref_slice %arg4[%mul3A_2, %dma_wait3A_910] : memref<819200x64xf32, #tpu.memory_space<hbm>> -> memref<128x64xf32, #tpu.memory_space<hbm>>
      %dma_wait3A_912 = arith.constant 0 : i32
      %dma_wait3A_913 = tpu.memref_slice %arg4[%mul3A_2, %dma_wait3A_912] : memref<819200x64xf32, #tpu.memory_space<hbm>> -> memref<128x64xf32, #tpu.memory_space<hbm>>
      %dma_wait3A_914 = arith.constant 0 : i32
      %dma_wait3A_915 = arith.constant 0 : i32
      %dma_wait3A_916 = tpu.memref_slice %arg6[%dma_wait3A_905, %dma_wait3A_914, %dma_wait3A_915] : memref<8x128x64xf32, #tpu.memory_space<vmem>> -> memref<1x128x64xf32, #tpu.memory_space<vmem>>
      %dma_wait3A_917 = tpu.memref_squeeze %dma_wait3A_916 : memref<1x128x64xf32, #tpu.memory_space<vmem>> -> memref<128x64xf32, #tpu.memory_space<vmem>>
      tpu.wait_dma2 semaphore(%arg23 : memref<!tpu.dma_semaphore, #tpu.memory_space<semaphore_mem>>) src(%dma_wait3A_917 : memref<128x64xf32, #tpu.memory_space<vmem>>) dst(%dma_wait3A_913 : memref<128x64xf32, #tpu.memory_space<hbm>>)
      %add3A_918 = arith.constant 1 : i32
      %add3A_919 = arith.addi %scan3A_438, %add3A_918 : i32
      %mul3A_920 = arith.constant 8 : i32
      %mul3A_921 = arith.muli %add3A_919, %mul3A_920 : i32
      %add3A_922 = arith.constant 7 : i32
      %add3A_923 = arith.addi %mul3A_921, %add3A_922 : i32
      %dma_start3A_924 = arith.constant 7 : i32
      %dma_start3A_925 = arith.constant 0 : i32
      %dma_start3A_926 = arith.constant 0 : i32
      %dma_start3A_927 = tpu.memref_slice %arg6[%dma_start3A_924, %dma_start3A_925, %dma_start3A_926] : memref<8x128x64xf32, #tpu.memory_space<vmem>> -> memref<1x128x64xf32, #tpu.memory_space<vmem>>
      %dma_start3A_928 = tpu.memref_squeeze %dma_start3A_927 : memref<1x128x64xf32, #tpu.memory_space<vmem>> -> memref<128x64xf32, #tpu.memory_space<vmem>>
      %dma_start3A_929 = arith.constant 0 : i32
      %dma_start3A_930 = tpu.memref_slice %arg5[%add3A_923, %dma_start3A_929] : memref<200x128xi32, #tpu.memory_space<vmem>> -> memref<1x128xi32, #tpu.memory_space<vmem>>
      %dma_start3A_931 = tpu.memref_squeeze %dma_start3A_930 : memref<1x128xi32, #tpu.memory_space<vmem>> -> memref<128xi32, #tpu.memory_space<vmem>>
      %dma_start3A_932 = arith.constant 0 : i32
      %dma_start3A_933 = arith.constant 0 : i32
      %dma_start3A_934 = tpu.memref_slice %arg3[%dma_start3A_932, %dma_start3A_933] : memref<1000000x64xf32, #tpu.memory_space<hbm>> -> memref<1000000x64xf32, #tpu.memory_space<hbm>>
      tpu.enqueue_indirect_dma source(%dma_start3A_934 : memref<1000000x64xf32, #tpu.memory_space<hbm>>) target(%dma_start3A_928 : memref<128x64xf32, #tpu.memory_space<vmem>>) offsets(%dma_start3A_931 : memref<128xi32, #tpu.memory_space<vmem>>) semaphore(%arg15 : memref<!tpu.dma_semaphore, #tpu.memory_space<semaphore_mem>>)
    }
    %scan3A_117 = arith.constant 24 : i32
    %dma_wait3A_118 = arith.constant 0 : i32
    %dma_wait3A_119 = arith.constant 0 : i32
    %dma_wait3A_120 = arith.constant 0 : i32
    %dma_wait3A_121 = arith.constant 0 : i32
    %dma_wait3A_122 = tpu.memref_slice %arg6[%dma_wait3A_119, %dma_wait3A_120, %dma_wait3A_121] : memref<8x128x64xf32, #tpu.memory_space<vmem>> -> memref<1x128x64xf32, #tpu.memory_space<vmem>>
    %dma_wait3A_123 = tpu.memref_squeeze %dma_wait3A_122 : memref<1x128x64xf32, #tpu.memory_space<vmem>> -> memref<128x64xf32, #tpu.memory_space<vmem>>
    %dma_wait3A_124 = arith.constant 0 : i32
    %dma_wait3A_125 = tpu.memref_slice %arg5[%dma_wait3A_118, %dma_wait3A_124] : memref<200x128xi32, #tpu.memory_space<vmem>> -> memref<1x128xi32, #tpu.memory_space<vmem>>
    %dma_wait3A_126 = tpu.memref_squeeze %dma_wait3A_125 : memref<1x128xi32, #tpu.memory_space<vmem>> -> memref<128xi32, #tpu.memory_space<vmem>>
    %dma_wait3A_127 = arith.constant 0 : i32
    %dma_wait3A_128 = arith.constant 0 : i32
    %dma_wait3A_129 = tpu.memref_slice %arg3[%dma_wait3A_127, %dma_wait3A_128] : memref<1000000x64xf32, #tpu.memory_space<hbm>> -> memref<1000000x64xf32, #tpu.memory_space<hbm>>
    tpu.wait_indirect_dma semaphore(%arg8 : memref<!tpu.dma_semaphore, #tpu.memory_space<semaphore_mem>>) src(%dma_wait3A_129 : memref<1000000x64xf32, #tpu.memory_space<hbm>>) dst(%dma_wait3A_123 : memref<128x64xf32, #tpu.memory_space<vmem>>)
    %add3A_130 = arith.constant 24576 : i32
    %add3A_131 = arith.addi %mul3A_2, %add3A_130 : i32
    %dma_start3A_132 = arith.constant 0 : i32
    %dma_start3A_133 = arith.constant 0 : i32
    %dma_start3A_134 = arith.constant 0 : i32
    %dma_start3A_135 = tpu.memref_slice %arg6[%dma_start3A_132, %dma_start3A_133, %dma_start3A_134] : memref<8x128x64xf32, #tpu.memory_space<vmem>> -> memref<1x128x64xf32, #tpu.memory_space<vmem>>
    %dma_start3A_136 = tpu.memref_squeeze %dma_start3A_135 : memref<1x128x64xf32, #tpu.memory_space<vmem>> -> memref<128x64xf32, #tpu.memory_space<vmem>>
    %dma_start3A_137 = arith.constant 0 : i32
    %dma_start3A_138 = tpu.memref_slice %arg4[%add3A_131, %dma_start3A_137] : memref<819200x64xf32, #tpu.memory_space<hbm>> -> memref<128x64xf32, #tpu.memory_space<hbm>>
    %dma_start3A_139 = arith.constant 0 : i32
    %dma_start3A_140 = tpu.memref_slice %arg4[%add3A_131, %dma_start3A_139] : memref<819200x64xf32, #tpu.memory_space<hbm>> -> memref<128x64xf32, #tpu.memory_space<hbm>>
    %dma_start3A_141 = arith.constant 0 : i32
    %dma_start3A_142 = arith.constant 0 : i32
    %dma_start3A_143 = tpu.memref_slice %arg6[%dma_start3A_132, %dma_start3A_141, %dma_start3A_142] : memref<8x128x64xf32, #tpu.memory_space<vmem>> -> memref<1x128x64xf32, #tpu.memory_space<vmem>>
    %dma_start3A_144 = tpu.memref_squeeze %dma_start3A_143 : memref<1x128x64xf32, #tpu.memory_space<vmem>> -> memref<128x64xf32, #tpu.memory_space<vmem>>
    tpu.enqueue_dma source(%dma_start3A_144 : memref<128x64xf32, #tpu.memory_space<vmem>>) target(%dma_start3A_140 : memref<128x64xf32, #tpu.memory_space<hbm>>) target_semaphore(%arg16 : memref<!tpu.dma_semaphore, #tpu.memory_space<semaphore_mem>>)
    %dma_wait3A_145 = arith.constant 0 : i32
    %dma_wait3A_146 = arith.constant 1 : i32
    %dma_wait3A_147 = arith.constant 0 : i32
    %dma_wait3A_148 = arith.constant 0 : i32
    %dma_wait3A_149 = tpu.memref_slice %arg6[%dma_wait3A_146, %dma_wait3A_147, %dma_wait3A_148] : memref<8x128x64xf32, #tpu.memory_space<vmem>> -> memref<1x128x64xf32, #tpu.memory_space<vmem>>
    %dma_wait3A_150 = tpu.memref_squeeze %dma_wait3A_149 : memref<1x128x64xf32, #tpu.memory_space<vmem>> -> memref<128x64xf32, #tpu.memory_space<vmem>>
    %dma_wait3A_151 = arith.constant 0 : i32
    %dma_wait3A_152 = tpu.memref_slice %arg5[%dma_wait3A_145, %dma_wait3A_151] : memref<200x128xi32, #tpu.memory_space<vmem>> -> memref<1x128xi32, #tpu.memory_space<vmem>>
    %dma_wait3A_153 = tpu.memref_squeeze %dma_wait3A_152 : memref<1x128xi32, #tpu.memory_space<vmem>> -> memref<128xi32, #tpu.memory_space<vmem>>
    %dma_wait3A_154 = arith.constant 0 : i32
    %dma_wait3A_155 = arith.constant 0 : i32
    %dma_wait3A_156 = tpu.memref_slice %arg3[%dma_wait3A_154, %dma_wait3A_155] : memref<1000000x64xf32, #tpu.memory_space<hbm>> -> memref<1000000x64xf32, #tpu.memory_space<hbm>>
    tpu.wait_indirect_dma semaphore(%arg9 : memref<!tpu.dma_semaphore, #tpu.memory_space<semaphore_mem>>) src(%dma_wait3A_156 : memref<1000000x64xf32, #tpu.memory_space<hbm>>) dst(%dma_wait3A_150 : memref<128x64xf32, #tpu.memory_space<vmem>>)
    %add3A_157 = arith.constant 24704 : i32
    %add3A_158 = arith.addi %mul3A_2, %add3A_157 : i32
    %dma_start3A_159 = arith.constant 1 : i32
    %dma_start3A_160 = arith.constant 0 : i32
    %dma_start3A_161 = arith.constant 0 : i32
    %dma_start3A_162 = tpu.memref_slice %arg6[%dma_start3A_159, %dma_start3A_160, %dma_start3A_161] : memref<8x128x64xf32, #tpu.memory_space<vmem>> -> memref<1x128x64xf32, #tpu.memory_space<vmem>>
    %dma_start3A_163 = tpu.memref_squeeze %dma_start3A_162 : memref<1x128x64xf32, #tpu.memory_space<vmem>> -> memref<128x64xf32, #tpu.memory_space<vmem>>
    %dma_start3A_164 = arith.constant 0 : i32
    %dma_start3A_165 = tpu.memref_slice %arg4[%add3A_158, %dma_start3A_164] : memref<819200x64xf32, #tpu.memory_space<hbm>> -> memref<128x64xf32, #tpu.memory_space<hbm>>
    %dma_start3A_166 = arith.constant 0 : i32
    %dma_start3A_167 = tpu.memref_slice %arg4[%add3A_158, %dma_start3A_166] : memref<819200x64xf32, #tpu.memory_space<hbm>> -> memref<128x64xf32, #tpu.memory_space<hbm>>
    %dma_start3A_168 = arith.constant 0 : i32
    %dma_start3A_169 = arith.constant 0 : i32
    %dma_start3A_170 = tpu.memref_slice %arg6[%dma_start3A_159, %dma_start3A_168, %dma_start3A_169] : memref<8x128x64xf32, #tpu.memory_space<vmem>> -> memref<1x128x64xf32, #tpu.memory_space<vmem>>
    %dma_start3A_171 = tpu.memref_squeeze %dma_start3A_170 : memref<1x128x64xf32, #tpu.memory_space<vmem>> -> memref<128x64xf32, #tpu.memory_space<vmem>>
    tpu.enqueue_dma source(%dma_start3A_171 : memref<128x64xf32, #tpu.memory_space<vmem>>) target(%dma_start3A_167 : memref<128x64xf32, #tpu.memory_space<hbm>>) target_semaphore(%arg17 : memref<!tpu.dma_semaphore, #tpu.memory_space<semaphore_mem>>)
    %dma_wait3A_172 = arith.constant 0 : i32
    %dma_wait3A_173 = arith.constant 2 : i32
    %dma_wait3A_174 = arith.constant 0 : i32
    %dma_wait3A_175 = arith.constant 0 : i32
    %dma_wait3A_176 = tpu.memref_slice %arg6[%dma_wait3A_173, %dma_wait3A_174, %dma_wait3A_175] : memref<8x128x64xf32, #tpu.memory_space<vmem>> -> memref<1x128x64xf32, #tpu.memory_space<vmem>>
    %dma_wait3A_177 = tpu.memref_squeeze %dma_wait3A_176 : memref<1x128x64xf32, #tpu.memory_space<vmem>> -> memref<128x64xf32, #tpu.memory_space<vmem>>
    %dma_wait3A_178 = arith.constant 0 : i32
    %dma_wait3A_179 = tpu.memref_slice %arg5[%dma_wait3A_172, %dma_wait3A_178] : memref<200x128xi32, #tpu.memory_space<vmem>> -> memref<1x128xi32, #tpu.memory_space<vmem>>
    %dma_wait3A_180 = tpu.memref_squeeze %dma_wait3A_179 : memref<1x128xi32, #tpu.memory_space<vmem>> -> memref<128xi32, #tpu.memory_space<vmem>>
    %dma_wait3A_181 = arith.constant 0 : i32
    %dma_wait3A_182 = arith.constant 0 : i32
    %dma_wait3A_183 = tpu.memref_slice %arg3[%dma_wait3A_181, %dma_wait3A_182] : memref<1000000x64xf32, #tpu.memory_space<hbm>> -> memref<1000000x64xf32, #tpu.memory_space<hbm>>
    tpu.wait_indirect_dma semaphore(%arg10 : memref<!tpu.dma_semaphore, #tpu.memory_space<semaphore_mem>>) src(%dma_wait3A_183 : memref<1000000x64xf32, #tpu.memory_space<hbm>>) dst(%dma_wait3A_177 : memref<128x64xf32, #tpu.memory_space<vmem>>)
    %add3A_184 = arith.constant 24832 : i32
    %add3A_185 = arith.addi %mul3A_2, %add3A_184 : i32
    %dma_start3A_186 = arith.constant 2 : i32
    %dma_start3A_187 = arith.constant 0 : i32
    %dma_start3A_188 = arith.constant 0 : i32
    %dma_start3A_189 = tpu.memref_slice %arg6[%dma_start3A_186, %dma_start3A_187, %dma_start3A_188] : memref<8x128x64xf32, #tpu.memory_space<vmem>> -> memref<1x128x64xf32, #tpu.memory_space<vmem>>
    %dma_start3A_190 = tpu.memref_squeeze %dma_start3A_189 : memref<1x128x64xf32, #tpu.memory_space<vmem>> -> memref<128x64xf32, #tpu.memory_space<vmem>>
    %dma_start3A_191 = arith.constant 0 : i32
    %dma_start3A_192 = tpu.memref_slice %arg4[%add3A_185, %dma_start3A_191] : memref<819200x64xf32, #tpu.memory_space<hbm>> -> memref<128x64xf32, #tpu.memory_space<hbm>>
    %dma_start3A_193 = arith.constant 0 : i32
    %dma_start3A_194 = tpu.memref_slice %arg4[%add3A_185, %dma_start3A_193] : memref<819200x64xf32, #tpu.memory_space<hbm>> -> memref<128x64xf32, #tpu.memory_space<hbm>>
    %dma_start3A_195 = arith.constant 0 : i32
    %dma_start3A_196 = arith.constant 0 : i32
    %dma_start3A_197 = tpu.memref_slice %arg6[%dma_start3A_186, %dma_start3A_195, %dma_start3A_196] : memref<8x128x64xf32, #tpu.memory_space<vmem>> -> memref<1x128x64xf32, #tpu.memory_space<vmem>>
    %dma_start3A_198 = tpu.memref_squeeze %dma_start3A_197 : memref<1x128x64xf32, #tpu.memory_space<vmem>> -> memref<128x64xf32, #tpu.memory_space<vmem>>
    tpu.enqueue_dma source(%dma_start3A_198 : memref<128x64xf32, #tpu.memory_space<vmem>>) target(%dma_start3A_194 : memref<128x64xf32, #tpu.memory_space<hbm>>) target_semaphore(%arg18 : memref<!tpu.dma_semaphore, #tpu.memory_space<semaphore_mem>>)
    %dma_wait3A_199 = arith.constant 0 : i32
    %dma_wait3A_200 = arith.constant 3 : i32
    %dma_wait3A_201 = arith.constant 0 : i32
    %dma_wait3A_202 = arith.constant 0 : i32
    %dma_wait3A_203 = tpu.memref_slice %arg6[%dma_wait3A_200, %dma_wait3A_201, %dma_wait3A_202] : memref<8x128x64xf32, #tpu.memory_space<vmem>> -> memref<1x128x64xf32, #tpu.memory_space<vmem>>
    %dma_wait3A_204 = tpu.memref_squeeze %dma_wait3A_203 : memref<1x128x64xf32, #tpu.memory_space<vmem>> -> memref<128x64xf32, #tpu.memory_space<vmem>>
    %dma_wait3A_205 = arith.constant 0 : i32
    %dma_wait3A_206 = tpu.memref_slice %arg5[%dma_wait3A_199, %dma_wait3A_205] : memref<200x128xi32, #tpu.memory_space<vmem>> -> memref<1x128xi32, #tpu.memory_space<vmem>>
    %dma_wait3A_207 = tpu.memref_squeeze %dma_wait3A_206 : memref<1x128xi32, #tpu.memory_space<vmem>> -> memref<128xi32, #tpu.memory_space<vmem>>
    %dma_wait3A_208 = arith.constant 0 : i32
    %dma_wait3A_209 = arith.constant 0 : i32
    %dma_wait3A_210 = tpu.memref_slice %arg3[%dma_wait3A_208, %dma_wait3A_209] : memref<1000000x64xf32, #tpu.memory_space<hbm>> -> memref<1000000x64xf32, #tpu.memory_space<hbm>>
    tpu.wait_indirect_dma semaphore(%arg11 : memref<!tpu.dma_semaphore, #tpu.memory_space<semaphore_mem>>) src(%dma_wait3A_210 : memref<1000000x64xf32, #tpu.memory_space<hbm>>) dst(%dma_wait3A_204 : memref<128x64xf32, #tpu.memory_space<vmem>>)
    %add3A_211 = arith.constant 24960 : i32
    %add3A_212 = arith.addi %mul3A_2, %add3A_211 : i32
    %dma_start3A_213 = arith.constant 3 : i32
    %dma_start3A_214 = arith.constant 0 : i32
    %dma_start3A_215 = arith.constant 0 : i32
    %dma_start3A_216 = tpu.memref_slice %arg6[%dma_start3A_213, %dma_start3A_214, %dma_start3A_215] : memref<8x128x64xf32, #tpu.memory_space<vmem>> -> memref<1x128x64xf32, #tpu.memory_space<vmem>>
    %dma_start3A_217 = tpu.memref_squeeze %dma_start3A_216 : memref<1x128x64xf32, #tpu.memory_space<vmem>> -> memref<128x64xf32, #tpu.memory_space<vmem>>
    %dma_start3A_218 = arith.constant 0 : i32
    %dma_start3A_219 = tpu.memref_slice %arg4[%add3A_212, %dma_start3A_218] : memref<819200x64xf32, #tpu.memory_space<hbm>> -> memref<128x64xf32, #tpu.memory_space<hbm>>
    %dma_start3A_220 = arith.constant 0 : i32
    %dma_start3A_221 = tpu.memref_slice %arg4[%add3A_212, %dma_start3A_220] : memref<819200x64xf32, #tpu.memory_space<hbm>> -> memref<128x64xf32, #tpu.memory_space<hbm>>
    %dma_start3A_222 = arith.constant 0 : i32
    %dma_start3A_223 = arith.constant 0 : i32
    %dma_start3A_224 = tpu.memref_slice %arg6[%dma_start3A_213, %dma_start3A_222, %dma_start3A_223] : memref<8x128x64xf32, #tpu.memory_space<vmem>> -> memref<1x128x64xf32, #tpu.memory_space<vmem>>
    %dma_start3A_225 = tpu.memref_squeeze %dma_start3A_224 : memref<1x128x64xf32, #tpu.memory_space<vmem>> -> memref<128x64xf32, #tpu.memory_space<vmem>>
    tpu.enqueue_dma source(%dma_start3A_225 : memref<128x64xf32, #tpu.memory_space<vmem>>) target(%dma_start3A_221 : memref<128x64xf32, #tpu.memory_space<hbm>>) target_semaphore(%arg19 : memref<!tpu.dma_semaphore, #tpu.memory_space<semaphore_mem>>)
    %dma_wait3A_226 = arith.constant 0 : i32
    %dma_wait3A_227 = arith.constant 4 : i32
    %dma_wait3A_228 = arith.constant 0 : i32
    %dma_wait3A_229 = arith.constant 0 : i32
    %dma_wait3A_230 = tpu.memref_slice %arg6[%dma_wait3A_227, %dma_wait3A_228, %dma_wait3A_229] : memref<8x128x64xf32, #tpu.memory_space<vmem>> -> memref<1x128x64xf32, #tpu.memory_space<vmem>>
    %dma_wait3A_231 = tpu.memref_squeeze %dma_wait3A_230 : memref<1x128x64xf32, #tpu.memory_space<vmem>> -> memref<128x64xf32, #tpu.memory_space<vmem>>
    %dma_wait3A_232 = arith.constant 0 : i32
    %dma_wait3A_233 = tpu.memref_slice %arg5[%dma_wait3A_226, %dma_wait3A_232] : memref<200x128xi32, #tpu.memory_space<vmem>> -> memref<1x128xi32, #tpu.memory_space<vmem>>
    %dma_wait3A_234 = tpu.memref_squeeze %dma_wait3A_233 : memref<1x128xi32, #tpu.memory_space<vmem>> -> memref<128xi32, #tpu.memory_space<vmem>>
    %dma_wait3A_235 = arith.constant 0 : i32
    %dma_wait3A_236 = arith.constant 0 : i32
    %dma_wait3A_237 = tpu.memref_slice %arg3[%dma_wait3A_235, %dma_wait3A_236] : memref<1000000x64xf32, #tpu.memory_space<hbm>> -> memref<1000000x64xf32, #tpu.memory_space<hbm>>
    tpu.wait_indirect_dma semaphore(%arg12 : memref<!tpu.dma_semaphore, #tpu.memory_space<semaphore_mem>>) src(%dma_wait3A_237 : memref<1000000x64xf32, #tpu.memory_space<hbm>>) dst(%dma_wait3A_231 : memref<128x64xf32, #tpu.memory_space<vmem>>)
    %add3A_238 = arith.constant 25088 : i32
    %add3A_239 = arith.addi %mul3A_2, %add3A_238 : i32
    %dma_start3A_240 = arith.constant 4 : i32
    %dma_start3A_241 = arith.constant 0 : i32
    %dma_start3A_242 = arith.constant 0 : i32
    %dma_start3A_243 = tpu.memref_slice %arg6[%dma_start3A_240, %dma_start3A_241, %dma_start3A_242] : memref<8x128x64xf32, #tpu.memory_space<vmem>> -> memref<1x128x64xf32, #tpu.memory_space<vmem>>
    %dma_start3A_244 = tpu.memref_squeeze %dma_start3A_243 : memref<1x128x64xf32, #tpu.memory_space<vmem>> -> memref<128x64xf32, #tpu.memory_space<vmem>>
    %dma_start3A_245 = arith.constant 0 : i32
    %dma_start3A_246 = tpu.memref_slice %arg4[%add3A_239, %dma_start3A_245] : memref<819200x64xf32, #tpu.memory_space<hbm>> -> memref<128x64xf32, #tpu.memory_space<hbm>>
    %dma_start3A_247 = arith.constant 0 : i32
    %dma_start3A_248 = tpu.memref_slice %arg4[%add3A_239, %dma_start3A_247] : memref<819200x64xf32, #tpu.memory_space<hbm>> -> memref<128x64xf32, #tpu.memory_space<hbm>>
    %dma_start3A_249 = arith.constant 0 : i32
    %dma_start3A_250 = arith.constant 0 : i32
    %dma_start3A_251 = tpu.memref_slice %arg6[%dma_start3A_240, %dma_start3A_249, %dma_start3A_250] : memref<8x128x64xf32, #tpu.memory_space<vmem>> -> memref<1x128x64xf32, #tpu.memory_space<vmem>>
    %dma_start3A_252 = tpu.memref_squeeze %dma_start3A_251 : memref<1x128x64xf32, #tpu.memory_space<vmem>> -> memref<128x64xf32, #tpu.memory_space<vmem>>
    tpu.enqueue_dma source(%dma_start3A_252 : memref<128x64xf32, #tpu.memory_space<vmem>>) target(%dma_start3A_248 : memref<128x64xf32, #tpu.memory_space<hbm>>) target_semaphore(%arg20 : memref<!tpu.dma_semaphore, #tpu.memory_space<semaphore_mem>>)
    %dma_wait3A_253 = arith.constant 0 : i32
    %dma_wait3A_254 = arith.constant 5 : i32
    %dma_wait3A_255 = arith.constant 0 : i32
    %dma_wait3A_256 = arith.constant 0 : i32
    %dma_wait3A_257 = tpu.memref_slice %arg6[%dma_wait3A_254, %dma_wait3A_255, %dma_wait3A_256] : memref<8x128x64xf32, #tpu.memory_space<vmem>> -> memref<1x128x64xf32, #tpu.memory_space<vmem>>
    %dma_wait3A_258 = tpu.memref_squeeze %dma_wait3A_257 : memref<1x128x64xf32, #tpu.memory_space<vmem>> -> memref<128x64xf32, #tpu.memory_space<vmem>>
    %dma_wait3A_259 = arith.constant 0 : i32
    %dma_wait3A_260 = tpu.memref_slice %arg5[%dma_wait3A_253, %dma_wait3A_259] : memref<200x128xi32, #tpu.memory_space<vmem>> -> memref<1x128xi32, #tpu.memory_space<vmem>>
    %dma_wait3A_261 = tpu.memref_squeeze %dma_wait3A_260 : memref<1x128xi32, #tpu.memory_space<vmem>> -> memref<128xi32, #tpu.memory_space<vmem>>
    %dma_wait3A_262 = arith.constant 0 : i32
    %dma_wait3A_263 = arith.constant 0 : i32
    %dma_wait3A_264 = tpu.memref_slice %arg3[%dma_wait3A_262, %dma_wait3A_263] : memref<1000000x64xf32, #tpu.memory_space<hbm>> -> memref<1000000x64xf32, #tpu.memory_space<hbm>>
    tpu.wait_indirect_dma semaphore(%arg13 : memref<!tpu.dma_semaphore, #tpu.memory_space<semaphore_mem>>) src(%dma_wait3A_264 : memref<1000000x64xf32, #tpu.memory_space<hbm>>) dst(%dma_wait3A_258 : memref<128x64xf32, #tpu.memory_space<vmem>>)
    %add3A_265 = arith.constant 25216 : i32
    %add3A_266 = arith.addi %mul3A_2, %add3A_265 : i32
    %dma_start3A_267 = arith.constant 5 : i32
    %dma_start3A_268 = arith.constant 0 : i32
    %dma_start3A_269 = arith.constant 0 : i32
    %dma_start3A_270 = tpu.memref_slice %arg6[%dma_start3A_267, %dma_start3A_268, %dma_start3A_269] : memref<8x128x64xf32, #tpu.memory_space<vmem>> -> memref<1x128x64xf32, #tpu.memory_space<vmem>>
    %dma_start3A_271 = tpu.memref_squeeze %dma_start3A_270 : memref<1x128x64xf32, #tpu.memory_space<vmem>> -> memref<128x64xf32, #tpu.memory_space<vmem>>
    %dma_start3A_272 = arith.constant 0 : i32
    %dma_start3A_273 = tpu.memref_slice %arg4[%add3A_266, %dma_start3A_272] : memref<819200x64xf32, #tpu.memory_space<hbm>> -> memref<128x64xf32, #tpu.memory_space<hbm>>
    %dma_start3A_274 = arith.constant 0 : i32
    %dma_start3A_275 = tpu.memref_slice %arg4[%add3A_266, %dma_start3A_274] : memref<819200x64xf32, #tpu.memory_space<hbm>> -> memref<128x64xf32, #tpu.memory_space<hbm>>
    %dma_start3A_276 = arith.constant 0 : i32
    %dma_start3A_277 = arith.constant 0 : i32
    %dma_start3A_278 = tpu.memref_slice %arg6[%dma_start3A_267, %dma_start3A_276, %dma_start3A_277] : memref<8x128x64xf32, #tpu.memory_space<vmem>> -> memref<1x128x64xf32, #tpu.memory_space<vmem>>
    %dma_start3A_279 = tpu.memref_squeeze %dma_start3A_278 : memref<1x128x64xf32, #tpu.memory_space<vmem>> -> memref<128x64xf32, #tpu.memory_space<vmem>>
    tpu.enqueue_dma source(%dma_start3A_279 : memref<128x64xf32, #tpu.memory_space<vmem>>) target(%dma_start3A_275 : memref<128x64xf32, #tpu.memory_space<hbm>>) target_semaphore(%arg21 : memref<!tpu.dma_semaphore, #tpu.memory_space<semaphore_mem>>)
    %dma_wait3A_280 = arith.constant 0 : i32
    %dma_wait3A_281 = arith.constant 6 : i32
    %dma_wait3A_282 = arith.constant 0 : i32
    %dma_wait3A_283 = arith.constant 0 : i32
    %dma_wait3A_284 = tpu.memref_slice %arg6[%dma_wait3A_281, %dma_wait3A_282, %dma_wait3A_283] : memref<8x128x64xf32, #tpu.memory_space<vmem>> -> memref<1x128x64xf32, #tpu.memory_space<vmem>>
    %dma_wait3A_285 = tpu.memref_squeeze %dma_wait3A_284 : memref<1x128x64xf32, #tpu.memory_space<vmem>> -> memref<128x64xf32, #tpu.memory_space<vmem>>
    %dma_wait3A_286 = arith.constant 0 : i32
    %dma_wait3A_287 = tpu.memref_slice %arg5[%dma_wait3A_280, %dma_wait3A_286] : memref<200x128xi32, #tpu.memory_space<vmem>> -> memref<1x128xi32, #tpu.memory_space<vmem>>
    %dma_wait3A_288 = tpu.memref_squeeze %dma_wait3A_287 : memref<1x128xi32, #tpu.memory_space<vmem>> -> memref<128xi32, #tpu.memory_space<vmem>>
    %dma_wait3A_289 = arith.constant 0 : i32
    %dma_wait3A_290 = arith.constant 0 : i32
    %dma_wait3A_291 = tpu.memref_slice %arg3[%dma_wait3A_289, %dma_wait3A_290] : memref<1000000x64xf32, #tpu.memory_space<hbm>> -> memref<1000000x64xf32, #tpu.memory_space<hbm>>
    tpu.wait_indirect_dma semaphore(%arg14 : memref<!tpu.dma_semaphore, #tpu.memory_space<semaphore_mem>>) src(%dma_wait3A_291 : memref<1000000x64xf32, #tpu.memory_space<hbm>>) dst(%dma_wait3A_285 : memref<128x64xf32, #tpu.memory_space<vmem>>)
    %add3A_292 = arith.constant 25344 : i32
    %add3A_293 = arith.addi %mul3A_2, %add3A_292 : i32
    %dma_start3A_294 = arith.constant 6 : i32
    %dma_start3A_295 = arith.constant 0 : i32
    %dma_start3A_296 = arith.constant 0 : i32
    %dma_start3A_297 = tpu.memref_slice %arg6[%dma_start3A_294, %dma_start3A_295, %dma_start3A_296] : memref<8x128x64xf32, #tpu.memory_space<vmem>> -> memref<1x128x64xf32, #tpu.memory_space<vmem>>
    %dma_start3A_298 = tpu.memref_squeeze %dma_start3A_297 : memref<1x128x64xf32, #tpu.memory_space<vmem>> -> memref<128x64xf32, #tpu.memory_space<vmem>>
    %dma_start3A_299 = arith.constant 0 : i32
    %dma_start3A_300 = tpu.memref_slice %arg4[%add3A_293, %dma_start3A_299] : memref<819200x64xf32, #tpu.memory_space<hbm>> -> memref<128x64xf32, #tpu.memory_space<hbm>>
    %dma_start3A_301 = arith.constant 0 : i32
    %dma_start3A_302 = tpu.memref_slice %arg4[%add3A_293, %dma_start3A_301] : memref<819200x64xf32, #tpu.memory_space<hbm>> -> memref<128x64xf32, #tpu.memory_space<hbm>>
    %dma_start3A_303 = arith.constant 0 : i32
    %dma_start3A_304 = arith.constant 0 : i32
    %dma_start3A_305 = tpu.memref_slice %arg6[%dma_start3A_294, %dma_start3A_303, %dma_start3A_304] : memref<8x128x64xf32, #tpu.memory_space<vmem>> -> memref<1x128x64xf32, #tpu.memory_space<vmem>>
    %dma_start3A_306 = tpu.memref_squeeze %dma_start3A_305 : memref<1x128x64xf32, #tpu.memory_space<vmem>> -> memref<128x64xf32, #tpu.memory_space<vmem>>
    tpu.enqueue_dma source(%dma_start3A_306 : memref<128x64xf32, #tpu.memory_space<vmem>>) target(%dma_start3A_302 : memref<128x64xf32, #tpu.memory_space<hbm>>) target_semaphore(%arg22 : memref<!tpu.dma_semaphore, #tpu.memory_space<semaphore_mem>>)
    %dma_wait3A_307 = arith.constant 0 : i32
    %dma_wait3A_308 = arith.constant 7 : i32
    %dma_wait3A_309 = arith.constant 0 : i32
    %dma_wait3A_310 = arith.constant 0 : i32
    %dma_wait3A_311 = tpu.memref_slice %arg6[%dma_wait3A_308, %dma_wait3A_309, %dma_wait3A_310] : memref<8x128x64xf32, #tpu.memory_space<vmem>> -> memref<1x128x64xf32, #tpu.memory_space<vmem>>
    %dma_wait3A_312 = tpu.memref_squeeze %dma_wait3A_311 : memref<1x128x64xf32, #tpu.memory_space<vmem>> -> memref<128x64xf32, #tpu.memory_space<vmem>>
    %dma_wait3A_313 = arith.constant 0 : i32
    %dma_wait3A_314 = tpu.memref_slice %arg5[%dma_wait3A_307, %dma_wait3A_313] : memref<200x128xi32, #tpu.memory_space<vmem>> -> memref<1x128xi32, #tpu.memory_space<vmem>>
    %dma_wait3A_315 = tpu.memref_squeeze %dma_wait3A_314 : memref<1x128xi32, #tpu.memory_space<vmem>> -> memref<128xi32, #tpu.memory_space<vmem>>
    %dma_wait3A_316 = arith.constant 0 : i32
    %dma_wait3A_317 = arith.constant 0 : i32
    %dma_wait3A_318 = tpu.memref_slice %arg3[%dma_wait3A_316, %dma_wait3A_317] : memref<1000000x64xf32, #tpu.memory_space<hbm>> -> memref<1000000x64xf32, #tpu.memory_space<hbm>>
    tpu.wait_indirect_dma semaphore(%arg15 : memref<!tpu.dma_semaphore, #tpu.memory_space<semaphore_mem>>) src(%dma_wait3A_318 : memref<1000000x64xf32, #tpu.memory_space<hbm>>) dst(%dma_wait3A_312 : memref<128x64xf32, #tpu.memory_space<vmem>>)
    %add3A_319 = arith.constant 25472 : i32
    %add3A_320 = arith.addi %mul3A_2, %add3A_319 : i32
    %dma_start3A_321 = arith.constant 7 : i32
    %dma_start3A_322 = arith.constant 0 : i32
    %dma_start3A_323 = arith.constant 0 : i32
    %dma_start3A_324 = tpu.memref_slice %arg6[%dma_start3A_321, %dma_start3A_322, %dma_start3A_323] : memref<8x128x64xf32, #tpu.memory_space<vmem>> -> memref<1x128x64xf32, #tpu.memory_space<vmem>>
    %dma_start3A_325 = tpu.memref_squeeze %dma_start3A_324 : memref<1x128x64xf32, #tpu.memory_space<vmem>> -> memref<128x64xf32, #tpu.memory_space<vmem>>
    %dma_start3A_326 = arith.constant 0 : i32
    %dma_start3A_327 = tpu.memref_slice %arg4[%add3A_320, %dma_start3A_326] : memref<819200x64xf32, #tpu.memory_space<hbm>> -> memref<128x64xf32, #tpu.memory_space<hbm>>
    %dma_start3A_328 = arith.constant 0 : i32
    %dma_start3A_329 = tpu.memref_slice %arg4[%add3A_320, %dma_start3A_328] : memref<819200x64xf32, #tpu.memory_space<hbm>> -> memref<128x64xf32, #tpu.memory_space<hbm>>
    %dma_start3A_330 = arith.constant 0 : i32
    %dma_start3A_331 = arith.constant 0 : i32
    %dma_start3A_332 = tpu.memref_slice %arg6[%dma_start3A_321, %dma_start3A_330, %dma_start3A_331] : memref<8x128x64xf32, #tpu.memory_space<vmem>> -> memref<1x128x64xf32, #tpu.memory_space<vmem>>
    %dma_start3A_333 = tpu.memref_squeeze %dma_start3A_332 : memref<1x128x64xf32, #tpu.memory_space<vmem>> -> memref<128x64xf32, #tpu.memory_space<vmem>>
    tpu.enqueue_dma source(%dma_start3A_333 : memref<128x64xf32, #tpu.memory_space<vmem>>) target(%dma_start3A_329 : memref<128x64xf32, #tpu.memory_space<hbm>>) target_semaphore(%arg23 : memref<!tpu.dma_semaphore, #tpu.memory_space<semaphore_mem>>)
    %dma_wait3A_334 = arith.constant 0 : i32
    %dma_wait3A_335 = arith.constant 0 : i32
    %dma_wait3A_336 = arith.constant 0 : i32
    %dma_wait3A_337 = tpu.memref_slice %arg6[%dma_wait3A_334, %dma_wait3A_335, %dma_wait3A_336] : memref<8x128x64xf32, #tpu.memory_space<vmem>> -> memref<1x128x64xf32, #tpu.memory_space<vmem>>
    %dma_wait3A_338 = tpu.memref_squeeze %dma_wait3A_337 : memref<1x128x64xf32, #tpu.memory_space<vmem>> -> memref<128x64xf32, #tpu.memory_space<vmem>>
    %dma_wait3A_339 = arith.constant 0 : i32
    %dma_wait3A_340 = tpu.memref_slice %arg4[%mul3A_2, %dma_wait3A_339] : memref<819200x64xf32, #tpu.memory_space<hbm>> -> memref<128x64xf32, #tpu.memory_space<hbm>>
    %dma_wait3A_341 = arith.constant 0 : i32
    %dma_wait3A_342 = tpu.memref_slice %arg4[%mul3A_2, %dma_wait3A_341] : memref<819200x64xf32, #tpu.memory_space<hbm>> -> memref<128x64xf32, #tpu.memory_space<hbm>>
    %dma_wait3A_343 = arith.constant 0 : i32
    %dma_wait3A_344 = arith.constant 0 : i32
    %dma_wait3A_345 = tpu.memref_slice %arg6[%dma_wait3A_334, %dma_wait3A_343, %dma_wait3A_344] : memref<8x128x64xf32, #tpu.memory_space<vmem>> -> memref<1x128x64xf32, #tpu.memory_space<vmem>>
    %dma_wait3A_346 = tpu.memref_squeeze %dma_wait3A_345 : memref<1x128x64xf32, #tpu.memory_space<vmem>> -> memref<128x64xf32, #tpu.memory_space<vmem>>
    tpu.wait_dma2 semaphore(%arg16 : memref<!tpu.dma_semaphore, #tpu.memory_space<semaphore_mem>>) src(%dma_wait3A_346 : memref<128x64xf32, #tpu.memory_space<vmem>>) dst(%dma_wait3A_342 : memref<128x64xf32, #tpu.memory_space<hbm>>)
    %dma_wait3A_347 = arith.constant 1 : i32
    %dma_wait3A_348 = arith.constant 0 : i32
    %dma_wait3A_349 = arith.constant 0 : i32
    %dma_wait3A_350 = tpu.memref_slice %arg6[%dma_wait3A_347, %dma_wait3A_348, %dma_wait3A_349] : memref<8x128x64xf32, #tpu.memory_space<vmem>> -> memref<1x128x64xf32, #tpu.memory_space<vmem>>
    %dma_wait3A_351 = tpu.memref_squeeze %dma_wait3A_350 : memref<1x128x64xf32, #tpu.memory_space<vmem>> -> memref<128x64xf32, #tpu.memory_space<vmem>>
    %dma_wait3A_352 = arith.constant 0 : i32
    %dma_wait3A_353 = tpu.memref_slice %arg4[%mul3A_2, %dma_wait3A_352] : memref<819200x64xf32, #tpu.memory_space<hbm>> -> memref<128x64xf32, #tpu.memory_space<hbm>>
    %dma_wait3A_354 = arith.constant 0 : i32
    %dma_wait3A_355 = tpu.memref_slice %arg4[%mul3A_2, %dma_wait3A_354] : memref<819200x64xf32, #tpu.memory_space<hbm>> -> memref<128x64xf32, #tpu.memory_space<hbm>>
    %dma_wait3A_356 = arith.constant 0 : i32
    %dma_wait3A_357 = arith.constant 0 : i32
    %dma_wait3A_358 = tpu.memref_slice %arg6[%dma_wait3A_347, %dma_wait3A_356, %dma_wait3A_357] : memref<8x128x64xf32, #tpu.memory_space<vmem>> -> memref<1x128x64xf32, #tpu.memory_space<vmem>>
    %dma_wait3A_359 = tpu.memref_squeeze %dma_wait3A_358 : memref<1x128x64xf32, #tpu.memory_space<vmem>> -> memref<128x64xf32, #tpu.memory_space<vmem>>
    tpu.wait_dma2 semaphore(%arg17 : memref<!tpu.dma_semaphore, #tpu.memory_space<semaphore_mem>>) src(%dma_wait3A_359 : memref<128x64xf32, #tpu.memory_space<vmem>>) dst(%dma_wait3A_355 : memref<128x64xf32, #tpu.memory_space<hbm>>)
    %dma_wait3A_360 = arith.constant 2 : i32
    %dma_wait3A_361 = arith.constant 0 : i32
    %dma_wait3A_362 = arith.constant 0 : i32
    %dma_wait3A_363 = tpu.memref_slice %arg6[%dma_wait3A_360, %dma_wait3A_361, %dma_wait3A_362] : memref<8x128x64xf32, #tpu.memory_space<vmem>> -> memref<1x128x64xf32, #tpu.memory_space<vmem>>
    %dma_wait3A_364 = tpu.memref_squeeze %dma_wait3A_363 : memref<1x128x64xf32, #tpu.memory_space<vmem>> -> memref<128x64xf32, #tpu.memory_space<vmem>>
    %dma_wait3A_365 = arith.constant 0 : i32
    %dma_wait3A_366 = tpu.memref_slice %arg4[%mul3A_2, %dma_wait3A_365] : memref<819200x64xf32, #tpu.memory_space<hbm>> -> memref<128x64xf32, #tpu.memory_space<hbm>>
    %dma_wait3A_367 = arith.constant 0 : i32
    %dma_wait3A_368 = tpu.memref_slice %arg4[%mul3A_2, %dma_wait3A_367] : memref<819200x64xf32, #tpu.memory_space<hbm>> -> memref<128x64xf32, #tpu.memory_space<hbm>>
    %dma_wait3A_369 = arith.constant 0 : i32
    %dma_wait3A_370 = arith.constant 0 : i32
    %dma_wait3A_371 = tpu.memref_slice %arg6[%dma_wait3A_360, %dma_wait3A_369, %dma_wait3A_370] : memref<8x128x64xf32, #tpu.memory_space<vmem>> -> memref<1x128x64xf32, #tpu.memory_space<vmem>>
    %dma_wait3A_372 = tpu.memref_squeeze %dma_wait3A_371 : memref<1x128x64xf32, #tpu.memory_space<vmem>> -> memref<128x64xf32, #tpu.memory_space<vmem>>
    tpu.wait_dma2 semaphore(%arg18 : memref<!tpu.dma_semaphore, #tpu.memory_space<semaphore_mem>>) src(%dma_wait3A_372 : memref<128x64xf32, #tpu.memory_space<vmem>>) dst(%dma_wait3A_368 : memref<128x64xf32, #tpu.memory_space<hbm>>)
    %dma_wait3A_373 = arith.constant 3 : i32
    %dma_wait3A_374 = arith.constant 0 : i32
    %dma_wait3A_375 = arith.constant 0 : i32
    %dma_wait3A_376 = tpu.memref_slice %arg6[%dma_wait3A_373, %dma_wait3A_374, %dma_wait3A_375] : memref<8x128x64xf32, #tpu.memory_space<vmem>> -> memref<1x128x64xf32, #tpu.memory_space<vmem>>
    %dma_wait3A_377 = tpu.memref_squeeze %dma_wait3A_376 : memref<1x128x64xf32, #tpu.memory_space<vmem>> -> memref<128x64xf32, #tpu.memory_space<vmem>>
    %dma_wait3A_378 = arith.constant 0 : i32
    %dma_wait3A_379 = tpu.memref_slice %arg4[%mul3A_2, %dma_wait3A_378] : memref<819200x64xf32, #tpu.memory_space<hbm>> -> memref<128x64xf32, #tpu.memory_space<hbm>>
    %dma_wait3A_380 = arith.constant 0 : i32
    %dma_wait3A_381 = tpu.memref_slice %arg4[%mul3A_2, %dma_wait3A_380] : memref<819200x64xf32, #tpu.memory_space<hbm>> -> memref<128x64xf32, #tpu.memory_space<hbm>>
    %dma_wait3A_382 = arith.constant 0 : i32
    %dma_wait3A_383 = arith.constant 0 : i32
    %dma_wait3A_384 = tpu.memref_slice %arg6[%dma_wait3A_373, %dma_wait3A_382, %dma_wait3A_383] : memref<8x128x64xf32, #tpu.memory_space<vmem>> -> memref<1x128x64xf32, #tpu.memory_space<vmem>>
    %dma_wait3A_385 = tpu.memref_squeeze %dma_wait3A_384 : memref<1x128x64xf32, #tpu.memory_space<vmem>> -> memref<128x64xf32, #tpu.memory_space<vmem>>
    tpu.wait_dma2 semaphore(%arg19 : memref<!tpu.dma_semaphore, #tpu.memory_space<semaphore_mem>>) src(%dma_wait3A_385 : memref<128x64xf32, #tpu.memory_space<vmem>>) dst(%dma_wait3A_381 : memref<128x64xf32, #tpu.memory_space<hbm>>)
    %dma_wait3A_386 = arith.constant 4 : i32
    %dma_wait3A_387 = arith.constant 0 : i32
    %dma_wait3A_388 = arith.constant 0 : i32
    %dma_wait3A_389 = tpu.memref_slice %arg6[%dma_wait3A_386, %dma_wait3A_387, %dma_wait3A_388] : memref<8x128x64xf32, #tpu.memory_space<vmem>> -> memref<1x128x64xf32, #tpu.memory_space<vmem>>
    %dma_wait3A_390 = tpu.memref_squeeze %dma_wait3A_389 : memref<1x128x64xf32, #tpu.memory_space<vmem>> -> memref<128x64xf32, #tpu.memory_space<vmem>>
    %dma_wait3A_391 = arith.constant 0 : i32
    %dma_wait3A_392 = tpu.memref_slice %arg4[%mul3A_2, %dma_wait3A_391] : memref<819200x64xf32, #tpu.memory_space<hbm>> -> memref<128x64xf32, #tpu.memory_space<hbm>>
    %dma_wait3A_393 = arith.constant 0 : i32
    %dma_wait3A_394 = tpu.memref_slice %arg4[%mul3A_2, %dma_wait3A_393] : memref<819200x64xf32, #tpu.memory_space<hbm>> -> memref<128x64xf32, #tpu.memory_space<hbm>>
    %dma_wait3A_395 = arith.constant 0 : i32
    %dma_wait3A_396 = arith.constant 0 : i32
    %dma_wait3A_397 = tpu.memref_slice %arg6[%dma_wait3A_386, %dma_wait3A_395, %dma_wait3A_396] : memref<8x128x64xf32, #tpu.memory_space<vmem>> -> memref<1x128x64xf32, #tpu.memory_space<vmem>>
    %dma_wait3A_398 = tpu.memref_squeeze %dma_wait3A_397 : memref<1x128x64xf32, #tpu.memory_space<vmem>> -> memref<128x64xf32, #tpu.memory_space<vmem>>
    tpu.wait_dma2 semaphore(%arg20 : memref<!tpu.dma_semaphore, #tpu.memory_space<semaphore_mem>>) src(%dma_wait3A_398 : memref<128x64xf32, #tpu.memory_space<vmem>>) dst(%dma_wait3A_394 : memref<128x64xf32, #tpu.memory_space<hbm>>)
    %dma_wait3A_399 = arith.constant 5 : i32
    %dma_wait3A_400 = arith.constant 0 : i32
    %dma_wait3A_401 = arith.constant 0 : i32
    %dma_wait3A_402 = tpu.memref_slice %arg6[%dma_wait3A_399, %dma_wait3A_400, %dma_wait3A_401] : memref<8x128x64xf32, #tpu.memory_space<vmem>> -> memref<1x128x64xf32, #tpu.memory_space<vmem>>
    %dma_wait3A_403 = tpu.memref_squeeze %dma_wait3A_402 : memref<1x128x64xf32, #tpu.memory_space<vmem>> -> memref<128x64xf32, #tpu.memory_space<vmem>>
    %dma_wait3A_404 = arith.constant 0 : i32
    %dma_wait3A_405 = tpu.memref_slice %arg4[%mul3A_2, %dma_wait3A_404] : memref<819200x64xf32, #tpu.memory_space<hbm>> -> memref<128x64xf32, #tpu.memory_space<hbm>>
    %dma_wait3A_406 = arith.constant 0 : i32
    %dma_wait3A_407 = tpu.memref_slice %arg4[%mul3A_2, %dma_wait3A_406] : memref<819200x64xf32, #tpu.memory_space<hbm>> -> memref<128x64xf32, #tpu.memory_space<hbm>>
    %dma_wait3A_408 = arith.constant 0 : i32
    %dma_wait3A_409 = arith.constant 0 : i32
    %dma_wait3A_410 = tpu.memref_slice %arg6[%dma_wait3A_399, %dma_wait3A_408, %dma_wait3A_409] : memref<8x128x64xf32, #tpu.memory_space<vmem>> -> memref<1x128x64xf32, #tpu.memory_space<vmem>>
    %dma_wait3A_411 = tpu.memref_squeeze %dma_wait3A_410 : memref<1x128x64xf32, #tpu.memory_space<vmem>> -> memref<128x64xf32, #tpu.memory_space<vmem>>
    tpu.wait_dma2 semaphore(%arg21 : memref<!tpu.dma_semaphore, #tpu.memory_space<semaphore_mem>>) src(%dma_wait3A_411 : memref<128x64xf32, #tpu.memory_space<vmem>>) dst(%dma_wait3A_407 : memref<128x64xf32, #tpu.memory_space<hbm>>)
    %dma_wait3A_412 = arith.constant 6 : i32
    %dma_wait3A_413 = arith.constant 0 : i32
    %dma_wait3A_414 = arith.constant 0 : i32
    %dma_wait3A_415 = tpu.memref_slice %arg6[%dma_wait3A_412, %dma_wait3A_413, %dma_wait3A_414] : memref<8x128x64xf32, #tpu.memory_space<vmem>> -> memref<1x128x64xf32, #tpu.memory_space<vmem>>
    %dma_wait3A_416 = tpu.memref_squeeze %dma_wait3A_415 : memref<1x128x64xf32, #tpu.memory_space<vmem>> -> memref<128x64xf32, #tpu.memory_space<vmem>>
    %dma_wait3A_417 = arith.constant 0 : i32
    %dma_wait3A_418 = tpu.memref_slice %arg4[%mul3A_2, %dma_wait3A_417] : memref<819200x64xf32, #tpu.memory_space<hbm>> -> memref<128x64xf32, #tpu.memory_space<hbm>>
    %dma_wait3A_419 = arith.constant 0 : i32
    %dma_wait3A_420 = tpu.memref_slice %arg4[%mul3A_2, %dma_wait3A_419] : memref<819200x64xf32, #tpu.memory_space<hbm>> -> memref<128x64xf32, #tpu.memory_space<hbm>>
    %dma_wait3A_421 = arith.constant 0 : i32
    %dma_wait3A_422 = arith.constant 0 : i32
    %dma_wait3A_423 = tpu.memref_slice %arg6[%dma_wait3A_412, %dma_wait3A_421, %dma_wait3A_422] : memref<8x128x64xf32, #tpu.memory_space<vmem>> -> memref<1x128x64xf32, #tpu.memory_space<vmem>>
    %dma_wait3A_424 = tpu.memref_squeeze %dma_wait3A_423 : memref<1x128x64xf32, #tpu.memory_space<vmem>> -> memref<128x64xf32, #tpu.memory_space<vmem>>
    tpu.wait_dma2 semaphore(%arg22 : memref<!tpu.dma_semaphore, #tpu.memory_space<semaphore_mem>>) src(%dma_wait3A_424 : memref<128x64xf32, #tpu.memory_space<vmem>>) dst(%dma_wait3A_420 : memref<128x64xf32, #tpu.memory_space<hbm>>)
    %dma_wait3A_425 = arith.constant 7 : i32
    %dma_wait3A_426 = arith.constant 0 : i32
    %dma_wait3A_427 = arith.constant 0 : i32
    %dma_wait3A_428 = tpu.memref_slice %arg6[%dma_wait3A_425, %dma_wait3A_426, %dma_wait3A_427] : memref<8x128x64xf32, #tpu.memory_space<vmem>> -> memref<1x128x64xf32, #tpu.memory_space<vmem>>
    %dma_wait3A_429 = tpu.memref_squeeze %dma_wait3A_428 : memref<1x128x64xf32, #tpu.memory_space<vmem>> -> memref<128x64xf32, #tpu.memory_space<vmem>>
    %dma_wait3A_430 = arith.constant 0 : i32
    %dma_wait3A_431 = tpu.memref_slice %arg4[%mul3A_2, %dma_wait3A_430] : memref<819200x64xf32, #tpu.memory_space<hbm>> -> memref<128x64xf32, #tpu.memory_space<hbm>>
    %dma_wait3A_432 = arith.constant 0 : i32
    %dma_wait3A_433 = tpu.memref_slice %arg4[%mul3A_2, %dma_wait3A_432] : memref<819200x64xf32, #tpu.memory_space<hbm>> -> memref<128x64xf32, #tpu.memory_space<hbm>>
    %dma_wait3A_434 = arith.constant 0 : i32
    %dma_wait3A_435 = arith.constant 0 : i32
    %dma_wait3A_436 = tpu.memref_slice %arg6[%dma_wait3A_425, %dma_wait3A_434, %dma_wait3A_435] : memref<8x128x64xf32, #tpu.memory_space<vmem>> -> memref<1x128x64xf32, #tpu.memory_space<vmem>>
    %dma_wait3A_437 = tpu.memref_squeeze %dma_wait3A_436 : memref<1x128x64xf32, #tpu.memory_space<vmem>> -> memref<128x64xf32, #tpu.memory_space<vmem>>
    tpu.wait_dma2 semaphore(%arg23 : memref<!tpu.dma_semaphore, #tpu.memory_space<semaphore_mem>>) src(%dma_wait3A_437 : memref<128x64xf32, #tpu.memory_space<vmem>>) dst(%dma_wait3A_433 : memref<128x64xf32, #tpu.memory_space<hbm>>)
    return
  }
}

</mosaic_0001>

<sc_bundles>
// kernel: _sc_gather.3.cloned.1.call-start
scs
__scs_entry_jumppad:
0x0: {  	(pc) =	sbr.rel $0x88, $3  }
0x1: {  	(tag) =	ssettag $0x0;
	lr =	simm.s32 $0x1  }
0x2: {  	[smem:$0x3F9F] =	sst lr;
	_ =	strace $0xD0000000  }
0x3: {  	_ = 	snop  }
0x4: {  	_ = 	snop  }
0x5: {  	_ = 	snop  }
0x6: {  	_ = 	snop  }
0x7: {  	_ = 	snop  }
__scs_overlays_trampoline_lowered:
0x8: {  	[smem:$0x3FAE] =	sst s0  }
0x9: {  	[smem:$0x3FAF] =	sst s1  }
0xa: {  	[smem:$0x3FB0] =	sst s2  }
0xb: {  	[smem:$0x3FB1] =	sst s3  }
0xc: {  	[smem:$0x3FB2] =	sst s4  }
0xd: {  	[smem:$0x3FB3] =	sst s5  }
0xe: {  	[smem:$0x3FB4] =	sst s6  }
0xf: {  	[smem:$0x3FB5] =	sst s7  }
0x10: {  	[smem:$0x3FB6] =	sst s8  }
0x11: {  	[smem:$0x3FB7] =	sst s9;
	s0 =	simm.s32 @!p0 $0x0  }
0x12: {  	s1 =	sld [smem:$0x3F9D];
	s0 =	simm.s32 @p0 $0x1  }
0x13: {  	[smem:$0x3FB8] =	sst s0;
	s0 =	simm.s32 @!p1 $0x0  }
0x14: {  	s2 =	sld [smem:$0x3F9C];
	s0 =	simm.s32 @p1 $0x1  }
0x15: {  	[smem:$0x3FB9] =	sst s0;
	s0 =	simm.s32 @!p2 $0x0  }
0x16: {  	s3 =	sld [smem:$0x3FDB];
	s0 =	simm.s32 @p2 $0x1  }
0x17: {  	s4 =	simm.s32 $0x1BF5;
	[smem:$0x3FBB] =	sst s0  }
0x18: {  	s0 =	sld [smem:$0x3F9E];
	_ =	swait.ge [sflag:s4], $0x0  }
0x19: {  	s7 =	sld [smem:$0x3F9F]  }
0x1a: {  	s8 =	sadd.s32 $0xFFFFE003, lr  }
0x1b: {  	s9 =	sadd.s32 $0xFFFFFEF7, lr;
	s5 =	simm.s32 $0xFFFFFFFF;
	p2 =	slt.u32 s8, $0xFFFFF086  }
0x1c: {  	p1 =	slt.u32 s9, $0xF7A;
	s5 =	simm.s32 @!p2 $0x0  }
0x1d: {  	s5 =	simm.s32 @p1 $0x1;
	p0 =	seq.s32 s7, s2  }
0x1e: {  	s7 =	smul.u32 @!p0 $0xF7A, s2;
	p2 =	seq.s32 @!p0 s5, $0x0  }
0x1f: {  	s9 =	smul.u32 $0xF7A, s1;
	s8 =	simm.s32 @!p0 $0x1BF5;
	p2 =	por !p2, p0  }
0x20: {  	[sflag:s8] =	ssyncset.s32 @!p0 $0xFFFFF086;
	s6 =	sadd.s32 @!p0 s3, s7;
	s7 =	simm.s32 @!p0 $0x108  }
0x21: {  	s3 =	sadd.s32 s3, s9;
	s6 =	sadd.s32 @!p0 $0x88, s6;
	s7 =	simm.s32 @p2 $0x1082  }
0x22: {  	[simem:s7], [sflag:s8] =	dma.local @!p0 [hbm:s6], $0xF7A  }
0x23: {  	s9 =	sor.u32 $0xD0000000, s2;
	s6 =	simm.s32 $0x108;
	_ =	swait.ge @!p0 [sflag:s8], $0x0  }
0x24: {  	s3 =	sadd.s32 $0x88, s3;
	s6 =	simm.s32 @!p1 $0x1082;
	[sflag:s4] =	ssyncset.s32 $0xFFFFF086  }
0x25: {  	[simem:s6], [sflag:s4] =	dma.local [hbm:s3], $0xF7A  }
0x26: {  	[smem:$0x3F9F] =	sst s1;
	(tag) =	ssettag s2;
	_ =	strace s9  }
0x27: {  	s1 =	sld [smem:$0x3FAF]  }
0x28: {  	s2 =	sld [smem:$0x3FB0]  }
0x29: {  	s4 =	sld [smem:$0x3FB2]  }
0x2a: {  	p0 =	seq.s32 s5, $0x0;
	s5 =	sld [smem:$0x3FB3]  }
0x2b: {  	s6 =	sld [smem:$0x3FB4]  }
0x2c: {  	s7 =	sld [smem:$0x3FB5]  }
0x2d: {  	s3 =	simm.s32 $0x108;
	s8 =	sld [smem:$0x3FB6]  }
0x2e: {  	s3 =	simm.s32 @!p0 $0x1082;
	s9 =	sld [smem:$0x3FB7]  }
0x2f: {  	lr =	sadd.s32 s0, s3;
	s0 =	sld [smem:$0x3FAE]  }
0x30: {  	s3 =	sld [smem:$0x3FB1]  }
0x31: {  	[smem:$0x3FBA] =	sst s10  }
0x32: {  	s10 =	sld [smem:$0x3FB8];
	_ =	sdelay $0x3  }
0x33: {  	p0 =	seq.s32 s10, $0x1;
	s10 =	sld [smem:$0x3FBA];
	_ =	sdelay $0x3  }
0x34: {  	[smem:$0x3FBA] =	sst s10  }
0x35: {  	s10 =	sld [smem:$0x3FB9];
	_ =	sdelay $0x3  }
0x36: {  	p1 =	seq.s32 s10, $0x1;
	s10 =	sld [smem:$0x3FBA];
	_ =	sdelay $0x3  }
0x37: {  	[smem:$0x3FBA] =	sst s10  }
0x38: {  	s10 =	sld [smem:$0x3FBB]  }
0x39: {  	_ = 	snop;
	(pc) =	sbr.ind lr, $3  }
0x3a: {  	_ = 	snop  }
0x3b: {  	_ = 	snop  }
0x3c: {  	p2 =	seq.s32 s10, $0x1;
	s10 =	sld [smem:$0x3FBA]  }
0x3d: {  	_ =	shalt  }
0x3e: {  	_ =	shalt  }
0x3f: {  	_ =	shalt  }
0x40: {  	_ =	shalt  }
0x41: {  	_ =	shalt  }
0x42: {  	_ =	shalt  }
0x43: {  	_ =	shalt  }
0x44: {  	_ =	shalt  }
0x45: {  	_ =	shalt  }
0x46: {  	_ =	shalt  }
0x47: {  	_ =	shalt  }
0x48: {  	_ =	shalt  }
0x49: {  	_ =	shalt  }
0x4a: {  	_ =	shalt  }
0x4b: {  	_ =	shalt  }
0x4c: {  	_ =	shalt  }
0x4d: {  	_ =	shalt  }
0x4e: {  	_ =	shalt  }
0x4f: {  	_ =	shalt  }
0x50: {  	_ =	shalt  }
0x51: {  	_ =	shalt  }
0x52: {  	_ =	shalt  }
0x53: {  	_ =	shalt  }
0x54: {  	_ =	shalt  }
0x55: {  	_ =	shalt  }
0x56: {  	_ =	shalt  }
0x57: {  	_ =	shalt  }
0x58: {  	_ =	shalt  }
0x59: {  	_ =	shalt  }
0x5a: {  	_ =	shalt  }
0x5b: {  	_ =	shalt  }
0x5c: {  	_ =	shalt  }
0x5d: {  	_ =	shalt  }
0x5e: {  	_ =	shalt  }
0x5f: {  	_ =	shalt  }
0x60: {  	_ =	shalt  }
0x61: {  	_ =	shalt  }
0x62: {  	_ =	shalt  }
0x63: {  	_ =	shalt  }
0x64: {  	_ =	shalt  }
0x65: {  	_ =	shalt  }
0x66: {  	_ =	shalt  }
0x67: {  	_ =	shalt  }
0x68: {  	_ =	shalt  }
0x69: {  	_ =	shalt  }
0x6a: {  	_ =	shalt  }
0x6b: {  	_ =	shalt  }
0x6c: {  	_ =	shalt  }
0x6d: {  	_ =	shalt  }
0x6e: {  	_ =	shalt  }
0x6f: {  	_ =	shalt  }
0x70: {  	_ =	shalt  }
0x71: {  	_ =	shalt  }
0x72: {  	_ =	shalt  }
0x73: {  	_ =	shalt  }
0x74: {  	_ =	shalt  }
0x75: {  	_ =	shalt  }
0x76: {  	_ =	shalt  }
0x77: {  	_ =	shalt  }
0x78: {  	_ =	shalt  }
0x79: {  	_ =	shalt  }
0x7a: {  	_ =	shalt  }
0x7b: {  	_ =	shalt  }
0x7c: {  	_ =	shalt  }
0x7d: {  	_ =	shalt  }
0x7e: {  	_ =	shalt  }
0x7f: {  	_ =	shalt  }
0x80: {  	_ =	shalt  }
0x81: {  	_ =	shalt  }
0x82: {  	_ =	shalt  }
0x83: {  	_ =	shalt  }
0x84: {  	_ =	shalt  }
0x85: {  	_ =	shalt  }
0x86: {  	_ =	shalt  }
0x87: {  	_ =	shalt  }
.Lfunc_end0:
.L_simem_size_0:
called_computation.1_lowered:
.L_overlay_start_0:
0x88: {  	s2 =	sld [smem:$0x3FD9]  }
0x89: {  	s3 =	sld [smem:$0x3FFE];
	_ =	sdelay $0x1  }
0x8a: {  	s1 =	srdreg.scid  }
0x8b: {  	s0 =	sand.u32 $0x1, s1  }
0x8c: {  	s17 =	sshll.u32 s0, $0xA;
	s2 =	sadd.s32 s3, s2  }
0x8d: {  	s2 =	sadd.s32 s2, s17  }
0x8e: {  	[smem:$0x3FC6] =	sst s2  }
0x8f: {  	_ = 	snop  }
0x90: {  	s2 =	sld [smem:$0x3FC9]  }
0x91: {  	s18 =	sld [smem:$0x3FD0];
	(tm) =	ssettm $0x1  }
0x92: {  	s4 =	sld [smem:$0x3FFB];
	_ =	sdelay $0x3  }
0x93: {  	_ =	strace s4  }
0x94: {  	s4 =	sld [smem:$0x3FFC];
	_ =	sdelay $0x3  }
0x95: {  	_ =	strace s4  }
0x96: {  	s4 =	sld [smem:$0x3FFD];
	_ =	sdelay $0x3  }
0x97: {  	_ =	strace s4  }
0x98: {  	_ =	strace $0x8FFFFFFF  }
0x99: {  	s19 =	sld [smem:$0x3FDB];
	_ =	sdelay $0x1  }
0x9a: {  	s5 =	simm.s32 $_scs_section_size  }
0x9b: {  	s6 =	simm.s32 $_size__tile_overlayer_lowered;
	s7 =	simm.s32 $_tile_overlayer_lowered  }
0x9c: {  	s22 =	simm.s32 $0x1BFF;
	s21 =	sshll.u32 s7, $0x1;
	s4 =	sadd.s32 s5, s19  }
0x9d: {  	s8 =	simm.s32 $0x0;
	s20 =	sshll.u32 s6, $0x1;
	s6 =	sadd.s32 s21, s4  }
0x9e: {  	[timem:s8], [sflag:s22] =	dma.local [hbm:s6], s20  }
0x9f: {  	_ =	swait.ge [sflag:s22], s20  }
0xa0: {  	s5 =	ssub.s32 $0x0, s20;
	[sflag:s22] =	ssyncset.done $0x0  }
0xa1: {  	[sflag:s22] =	ssyncadd.s32 s5;
	_ =	sdelay $0x1  }
0xa2: {  	s23 =	simm.s32 $0x1B8B  }
0xa3: {  	_ =	swait.ge [sflag:s23], $0x1  }
0xa4: {  	[sflag:s23] =	ssyncset.done $0x0  }
0xa5: {  	s25 =	simm.s32 $0x1B8E;
	s24 =	sld [smem:$0x3FFE];
	[sflag:s23] =	ssyncadd.s32 $0xFFFFFFFF  }
0xa6: {  	s26 =	simm.s32 $execute0_lowered;
	[smem:$0x3FD2] =	sst s25  }
0xa7: {  	s6 =	sshll.u32 s26, $0x1;
	_ =	strace $0x80000046;
	[dreg:$0x1] =	wrdreg $0xFFFFFFFF  }
0xa8: {  	s28 =	simm.s32 $_size_execute0_lowered;
	s4 =	sadd.s32 s4, s6;
	[dreg:$0x0] =	wrdreg $0x0  }
0xa9: {  	s6 =	sshll.u32 s28, $0x1;
	[dreg:$0x2] =	wrdreg s4  }
0xaa: {  	[dreg:$0x3] =	wrdreg s6  }
0xab: {  	[dreg:$0x4] =	wrdreg $0xC0  }
0xac: {  	_ =	task [dreg:s8], $0x5FFFF  }
0xad: {  	[dreg:$0x1] =	wrdreg $0xFFFFFFFF  }
0xae: {  	[dreg:$0x0] =	wrdreg $0x60  }
0xaf: {  	[dreg:$0x2] =	wrdreg s2  }
0xb0: {  	[dreg:$0x3] =	wrdreg s24  }
0xb1: {  	[dreg:$0x4] =	wrdreg s18  }
0xb2: {  	[dreg:$0x5] =	wrdreg $0x9  }
0xb3: {  	_ =	task.clear_ibuf [dreg:s8], $0x6FFFF;
	_ =	strace $0x90000046  }
0xb4: {  	s29 =	simm.s32 $0x9;
	_ =	strace $0x80000048  }
0xb5: {  	_ =	swait.ge [sflag:s29], $0x1  }
0xb6: {  	[sflag:s29] =	ssyncadd.s32 $0xFFFFFFFF  }
0xb7: {  	_ =	strace $0x90000048  }
0xb8: {  	_ =	sfence  }
0xb9: {  	s30 =	sld [smem:$0x0];
	_ =	sdelay $0x2  }
0xba: {  	s31 =	sshll.u32 s1, $0xD;
	s1 =	sshrl.u32 s1, $0x2  }
0xbb: {  	s3 =	sand.u32 $0x4000, s31;
	s1 =	sadd.s32 s1, s30  }
0xbc: {  	s0 =	sor.u32 s3, s0;
	s1 =	sshll.u32 s1, $0x11  }
0xbd: {  	s0 =	sor.u32 s1, s0  }
0xbe: {  	s0 =	sadd.s32 $0x8F2B, s0  }
0xbf: {  	[sflag:s0] =	ssyncadd.remote.s32 $0x1  }
0xc0: {  	_ =	sfence.sel $0xFFFF  }
0xc1: {  	[dreg:$0x0] =	wrdreg $0xFFFFFFFF;
	(pc) =	sbr.abs _section_cstart, $3  }
0xc2: {  	[dreg:$0x1] =	wrdreg $0xFFFFFFFF  }
0xc3: {  	_ =	task.clear_ibuf [dreg:s8], $0x2FFFF;
	_ =	strace $0x9FFFFFFF  }
0xc4: {  	(tm) =	ssettm $0x7FFFFFFF  }
0xc5: {  	_ =	shalt  }
tec
execute0_lowered:
.L_overlay_start_1:
0x0: {  	(tag) =	ssettag $0x1  }
0x1: {  	s0 =	srdreg.scid;
	s10 =	stileid.u32  }
0x2: {  	s1 =	rddreg [dreg:$0x0];
	s7 =	smul.u32 $0x320000, s10  }
0x3: {  	s0 =	sand.u32 $0x1, s0;
	s2 =	sshll.u32 s10, $0x1;
	s10 =	smul.u32 $0xC800, s10  }
0x4: {  	s3 =	rddreg [dreg:$0x1];
	s8 =	smul.u32 $0x190000, s0  }
0x5: {  	s4 =	sor.u32 s0, s2;
	s9 =	ssub.s32 $0x2, s0;
	s0 =	smul.u32 $0x6400, s0  }
0x6: {  	s5 =	rddreg [dreg:$0x2];
	s2 =	simm.s32 $0x0;
	s6 =	smul.u32 $0x6400, s4  }
0x7: {  	[smem:$0x7FF] =	sst s2;
	s11 =	sshrl.u32 s9, $0x1;
	s4 =	smul.u32 $0x190000, s4  }
0x8: {  	_ =	strace $0x80000047;
	s9 =	ssub.s32 s9, s11;
	s0 =	sadd.s32 s0, s10  }
0x9: {  	s6 =	sshrl.u32 s6, $0x3;
	s4 =	sshrl.u32 s4, $0x3;
	s28 =	smax.u32 s9, $0x1  }
0xa: {  	s1 =	sadd.s32 s1, s6;
	s4 =	sadd.s32 s5, s4;
	[dreg:$0x15] =	wrdreg s28  }
0xb: {  	s0 =	sshll.u32 s0, $0x3;
	[dreg:$0xc] =	wrdreg s1;
	s13 =	sadd.s32 $0x30000, s4  }
0xc: {  	s0 =	sadd.s32 s0, s5;
	s15 =	sadd.s32 $0x30400, s4;
	[dreg:$0xd] =	wrdreg s13  }
0xd: {  	s29 =	simm.s32 $0xA;
	s14 =	sadd.s32 $0x1C00, s0;
	[dreg:$0xe] =	wrdreg s15  }
0xe: {  	s31 =	simm.s32 $0x14400;
	s17 =	sadd.s32 $0x30800, s4;
	[dreg:$0x5] =	wrdreg s14  }
0xf: {  	s30 =	simm.s32 $0x12400;
	s16 =	sadd.s32 $0x1800, s0;
	[dreg:$0xf] =	wrdreg s17  }
0x10: {  	s3 =	sadd.s32 $0xF42C00, s3;
	s19 =	sadd.s32 $0x30C00, s4;
	[dreg:$0x6] =	wrdreg s16  }
0x11: {  	s12 =	sadd.s32 s8, s7;
	s18 =	sadd.s32 $0x1400, s0;
	[dreg:$0x10] =	wrdreg s19  }
0x12: {  	s7 =	simm.s32 $0xE;
	s21 =	sadd.s32 $0x31000, s4;
	[dreg:$0x7] =	wrdreg s18  }
0x13: {  	s8 =	simm.s32 $0xF;
	s20 =	sadd.s32 $0x1000, s0;
	[dreg:$0x11] =	wrdreg s21  }
0x14: {  	s10 =	simm.s32 $0x11;
	s23 =	sadd.s32 $0x31400, s4;
	[dreg:$0x8] =	wrdreg s20  }
0x15: {  	s9 =	simm.s32 $0x10;
	s22 =	sadd.s32 $0xC00, s0;
	[dreg:$0x12] =	wrdreg s23  }
0x16: {  	s6 =	simm.s32 $0xD;
	s25 =	sadd.s32 $0x31800, s4;
	[dreg:$0x9] =	wrdreg s22  }
0x17: {  	s1 =	sshrl.u32 s12, $0x3;
	s24 =	sadd.s32 $0x800, s0;
	[dreg:$0x13] =	wrdreg s25  }
0x18: {  	s0 =	sadd.s32 $0x400, s0;
	s26 =	sadd.s32 $0x31C00, s4;
	[dreg:$0xa] =	wrdreg s24  }
0x19: {  	s4 =	simm.s32 $0xB;
	s12 =	simm.s32 $0x0;
	[dreg:$0x14] =	wrdreg s26  }
0x1a: {  	s1 =	sadd.s32 s1, s5;
	[dreg:$0xb] =	wrdreg s0;
	s15 =	simm.s32 $0x80  }
0x1b: {  	s0 =	simm.s32 $0x4;
	s18 =	simm.s32 $0x5;
	s20 =	simm.s32 $0x6  }
0x1c: {  	s22 =	simm.s32 $0x7;
	s24 =	simm.s32 $0x8;
	s26 =	simm.s32 $0x9  }
0x1d: {  	s5 =	simm.s32 $0xC;
	[dreg:$0x4] =	wrdreg s1;
	s1 =	simm.s32 $0x3  }
.LBB2_1:
0x1e: {  	[dreg:$0x16] =	wrdreg s12  }
0x1f: {  	s11 =	rddreg [dreg:$0xc];
	s14 =	simm.s32 $0x1  }
0x20: {  	[tilespmem:s2], [sflag:$0x1] =	stream.linear.gather [hbm4b:s11+s2], $0x6400, $0x38;
	[tilespmem:$0x16400] =	vst v63  }
0x21: {  	_ =	swait.ge [sflag:s14], $0x6400  }
0x22: {  	[sflag:s14] =	ssyncset.done $0x0  }
0x23: {  	s12 =	simm.s32 $0x6400;
	[sflag:s14] =	ssyncadd.s32 $0xFFFF9C00  }
0x24: {  	[tilespmem:s12], [sflag:$0x2] =	stream.indirect.gather [hbm4b:s3+s15], $0x40, s2, s15, $0xb8;
	[tilespmem:$0x16400] =	vst v63  }
0x25: {  	s13 =	simm.s32 $0x8400  }
0x26: {  	[tilespmem:s13], [sflag:$0x3] =	stream.indirect.gather [hbm4b:s3+s15], $0x40, s15, s15, $0xb8;
	[tilespmem:$0x16400] =	vst v63  }
0x27: {  	s16 =	simm.s32 $0x100;
	s14 =	simm.s32 $0xA400  }
0x28: {  	[tilespmem:s14], [sflag:$0x4] =	stream.indirect.gather [hbm4b:s3+s15], $0x40, s16, s15, $0xb8;
	[tilespmem:$0x16400] =	vst v63  }
0x29: {  	s17 =	simm.s32 $0x180;
	s16 =	simm.s32 $0xC400  }
0x2a: {  	[tilespmem:s16], [sflag:$0x5] =	stream.indirect.gather [hbm4b:s3+s15], $0x40, s17, s15, $0xb8;
	[tilespmem:$0x16400] =	vst v63  }
0x2b: {  	s19 =	simm.s32 $0x200;
	s17 =	simm.s32 $0xE400  }
0x2c: {  	[tilespmem:s17], [sflag:$0x6] =	stream.indirect.gather [hbm4b:s3+s15], $0x40, s19, s15, $0xb8;
	[tilespmem:$0x16400] =	vst v63  }
0x2d: {  	s21 =	simm.s32 $0x280;
	s19 =	simm.s32 $0x10400  }
0x2e: {  	[tilespmem:s19], [sflag:$0x7] =	stream.indirect.gather [hbm4b:s3+s15], $0x40, s21, s15, $0xb8;
	[tilespmem:$0x16400] =	vst v63  }
0x2f: {  	s23 =	simm.s32 $0x300;
	s21 =	simm.s32 $0x12400  }
0x30: {  	[tilespmem:s21], [sflag:$0x8] =	stream.indirect.gather [hbm4b:s3+s15], $0x40, s23, s15, $0xb8;
	[tilespmem:$0x16400] =	vst v63  }
0x31: {  	s25 =	simm.s32 $0x380;
	s23 =	simm.s32 $0x14400  }
0x32: {  	[tilespmem:s23], [sflag:$0x9] =	stream.indirect.gather [hbm4b:s3+s15], $0x40, s25, s15, $0xb8;
	[tilespmem:$0x16400] =	vst v63  }
0x33: {  	s25 =	simm.s32 $0x2  }
0x34: {  	_ =	swait.ge [sflag:s25], $0x2000  }
0x35: {  	s28 =	rddreg [dreg:$0x4];
	[sflag:s25] =	ssyncset.done $0x0  }
0x36: {  	[sflag:s25] =	ssyncadd.s32 $0xFFFFE000;
	s11 =	sadd.s32 $0x0, s28  }
0x37: {  	[hbm4b:s11+s2] =	stream.linear.scatter [tilespmem:s12], [sflag:$0xA], $0x2000, $0x38;
	[tilespmem:$0x16400] =	vst v63  }
0x38: {  	_ =	swait.ge [sflag:s1], $0x2000  }
0x39: {  	s25 =	rddreg [dreg:$0xb];
	[sflag:s1] =	ssyncset.done $0x0  }
0x3a: {  	[sflag:s1] =	ssyncadd.s32 $0xFFFFE000;
	s11 =	sadd.s32 $0x0, s25  }
0x3b: {  	[hbm4b:s11+s2] =	stream.linear.scatter [tilespmem:s13], [sflag:$0xB], $0x2000, $0x38;
	[tilespmem:$0x16400] =	vst v63  }
0x3c: {  	_ =	swait.ge [sflag:s0], $0x2000  }
0x3d: {  	s28 =	rddreg [dreg:$0xa];
	[sflag:s0] =	ssyncset.done $0x0  }
0x3e: {  	[sflag:s0] =	ssyncadd.s32 $0xFFFFE000;
	s11 =	sadd.s32 $0x0, s28  }
0x3f: {  	[hbm4b:s11+s2] =	stream.linear.scatter [tilespmem:s14], [sflag:$0xC], $0x2000, $0x38;
	[tilespmem:$0x16400] =	vst v63  }
0x40: {  	_ =	swait.ge [sflag:s18], $0x2000  }
0x41: {  	s25 =	rddreg [dreg:$0x9];
	[sflag:s18] =	ssyncset.done $0x0  }
0x42: {  	[sflag:s18] =	ssyncadd.s32 $0xFFFFE000;
	s11 =	sadd.s32 $0x0, s25  }
0x43: {  	[hbm4b:s11+s2] =	stream.linear.scatter [tilespmem:s16], [sflag:$0xD], $0x2000, $0x38;
	[tilespmem:$0x16400] =	vst v63  }
0x44: {  	_ =	swait.ge [sflag:s20], $0x2000  }
0x45: {  	s28 =	rddreg [dreg:$0x8];
	[sflag:s20] =	ssyncset.done $0x0  }
0x46: {  	[sflag:s20] =	ssyncadd.s32 $0xFFFFE000;
	s11 =	sadd.s32 $0x0, s28  }
0x47: {  	[hbm4b:s11+s2] =	stream.linear.scatter [tilespmem:s17], [sflag:$0xE], $0x2000, $0x38;
	[tilespmem:$0x16400] =	vst v63  }
0x48: {  	_ =	swait.ge [sflag:s22], $0x2000  }
0x49: {  	s25 =	rddreg [dreg:$0x7];
	[sflag:s22] =	ssyncset.done $0x0  }
0x4a: {  	[sflag:s22] =	ssyncadd.s32 $0xFFFFE000;
	s11 =	sadd.s32 $0x0, s25  }
0x4b: {  	[hbm4b:s11+s2] =	stream.linear.scatter [tilespmem:s19], [sflag:$0xF], $0x2000, $0x38;
	[tilespmem:$0x16400] =	vst v63  }
0x4c: {  	_ =	swait.ge [sflag:s24], $0x2000  }
0x4d: {  	s28 =	rddreg [dreg:$0x6];
	[sflag:s24] =	ssyncset.done $0x0  }
0x4e: {  	[sflag:s24] =	ssyncadd.s32 $0xFFFFE000;
	s11 =	sadd.s32 $0x0, s28  }
0x4f: {  	[hbm4b:s11+s2] =	stream.linear.scatter [tilespmem:s21], [sflag:$0x10], $0x2000, $0x38;
	[tilespmem:$0x16400] =	vst v63  }
0x50: {  	_ =	swait.ge [sflag:s26], $0x2000  }
0x51: {  	s25 =	rddreg [dreg:$0x5];
	[sflag:s26] =	ssyncset.done $0x0  }
0x52: {  	[sflag:s26] =	ssyncadd.s32 $0xFFFFE000;
	s11 =	sadd.s32 $0x0, s25  }
0x53: {  	[hbm4b:s11+s2] =	stream.linear.scatter [tilespmem:s23], [sflag:$0x11], $0x2000, $0x38;
	[tilespmem:$0x16400] =	vst v63  }
0x54: {  	_ =	swait.ge [sflag:s29], $0x2000  }
0x55: {  	[sflag:s29] =	ssyncset.done $0x0  }
0x56: {  	s28 =	simm.s32 $0x400;
	[sflag:s29] =	ssyncadd.s32 $0xFFFFE000  }
0x57: {  	[tilespmem:s12], [sflag:$0x2] =	stream.indirect.gather [hbm4b:s3+s15], $0x40, s28, s15, $0xb8;
	[tilespmem:$0x16400] =	vst v63  }
0x58: {  	_ =	swait.ge [sflag:s4], $0x2000  }
0x59: {  	[sflag:s4] =	ssyncset.done $0x0  }
0x5a: {  	s12 =	simm.s32 $0x480;
	[sflag:s4] =	ssyncadd.s32 $0xFFFFE000  }
0x5b: {  	[tilespmem:s13], [sflag:$0x3] =	stream.indirect.gather [hbm4b:s3+s15], $0x40, s12, s15, $0xb8;
	[tilespmem:$0x16400] =	vst v63  }
0x5c: {  	_ =	swait.ge [sflag:s5], $0x2000  }
0x5d: {  	[sflag:s5] =	ssyncset.done $0x0  }
0x5e: {  	s13 =	simm.s32 $0x500;
	[sflag:s5] =	ssyncadd.s32 $0xFFFFE000  }
0x5f: {  	[tilespmem:s14], [sflag:$0x4] =	stream.indirect.gather [hbm4b:s3+s15], $0x40, s13, s15, $0xb8;
	[tilespmem:$0x16400] =	vst v63  }
0x60: {  	_ =	swait.ge [sflag:s6], $0x2000  }
0x61: {  	[sflag:s6] =	ssyncset.done $0x0  }
0x62: {  	s14 =	simm.s32 $0x580;
	[sflag:s6] =	ssyncadd.s32 $0xFFFFE000  }
0x63: {  	[tilespmem:s16], [sflag:$0x5] =	stream.indirect.gather [hbm4b:s3+s15], $0x40, s14, s15, $0xb8;
	[tilespmem:$0x16400] =	vst v63  }
0x64: {  	_ =	swait.ge [sflag:s7], $0x2000  }
0x65: {  	[sflag:s7] =	ssyncset.done $0x0  }
0x66: {  	s23 =	simm.s32 $0x600;
	[sflag:s7] =	ssyncadd.s32 $0xFFFFE000  }
0x67: {  	[tilespmem:s17], [sflag:$0x6] =	stream.indirect.gather [hbm4b:s3+s15], $0x40, s23, s15, $0xb8;
	[tilespmem:$0x16400] =	vst v63  }
0x68: {  	_ =	swait.ge [sflag:s8], $0x2000  }
0x69: {  	[sflag:s8] =	ssyncset.done $0x0  }
0x6a: {  	s25 =	simm.s32 $0x680;
	[sflag:s8] =	ssyncadd.s32 $0xFFFFE000  }
0x6b: {  	[tilespmem:s19], [sflag:$0x7] =	stream.indirect.gather [hbm4b:s3+s15], $0x40, s25, s15, $0xb8;
	[tilespmem:$0x16400] =	vst v63  }
0x6c: {  	_ =	swait.ge [sflag:s9], $0x2000  }
0x6d: {  	[sflag:s9] =	ssyncset.done $0x0  }
0x6e: {  	s28 =	simm.s32 $0x700;
	[sflag:s9] =	ssyncadd.s32 $0xFFFFE000  }
0x6f: {  	[tilespmem:s21], [sflag:$0x8] =	stream.indirect.gather [hbm4b:s3+s15], $0x40, s28, s15, $0xb8;
	[tilespmem:$0x16400] =	vst v63  }
0x70: {  	_ =	swait.ge [sflag:s10], $0x2000  }
0x71: {  	s12 =	simm.s32 $0x780;
	[sflag:s10] =	ssyncset.done $0x0  }
0x72: {  	s13 =	simm.s32 $0x2000;
	s14 =	simm.s32 $0xB80;
	[sflag:s10] =	ssyncadd.s32 $0xFFFFE000  }
.LBB2_2:
0x73: {  	[tilespmem:s31], [sflag:$0x9] =	stream.indirect.gather [hbm4b:s3+s15], $0x40, s12, s15, $0xb8;
	[tilespmem:$0x16400] =	vst v63  }
0x74: {  	s17 =	simm.s32 $0x2  }
0x75: {  	_ =	swait.ge [sflag:s17], $0x2000  }
0x76: {  	s11 =	smov.u32 s13;
	s16 =	rddreg [dreg:$0x4];
	[sflag:s17] =	ssyncset.done $0x0  }
0x77: {  	[sflag:s17] =	ssyncadd.s32 $0xFFFFE000;
	s16 =	sadd.s32 s11, s16;
	s17 =	simm.s32 $0x6400  }
0x78: {  	[hbm4b:s16+s2] =	stream.linear.scatter [tilespmem:s17], [sflag:$0xA], $0x2000, $0x38;
	[tilespmem:$0x16400] =	vst v63  }
0x79: {  	_ =	swait.ge [sflag:s1], $0x2000  }
0x7a: {  	s19 =	rddreg [dreg:$0xb];
	[sflag:s1] =	ssyncset.done $0x0  }
0x7b: {  	[sflag:s1] =	ssyncadd.s32 $0xFFFFE000;
	s16 =	sadd.s32 s11, s19;
	s19 =	simm.s32 $0x8400  }
0x7c: {  	[hbm4b:s16+s2] =	stream.linear.scatter [tilespmem:s19], [sflag:$0xB], $0x2000, $0x38;
	[tilespmem:$0x16400] =	vst v63  }
0x7d: {  	_ =	swait.ge [sflag:s0], $0x2000  }
0x7e: {  	s21 =	rddreg [dreg:$0xa];
	[sflag:s0] =	ssyncset.done $0x0  }
0x7f: {  	[sflag:s0] =	ssyncadd.s32 $0xFFFFE000;
	s16 =	sadd.s32 s11, s21;
	s21 =	simm.s32 $0xA400  }
0x80: {  	[hbm4b:s16+s2] =	stream.linear.scatter [tilespmem:s21], [sflag:$0xC], $0x2000, $0x38;
	[tilespmem:$0x16400] =	vst v63  }
0x81: {  	_ =	swait.ge [sflag:s18], $0x2000  }
0x82: {  	s23 =	rddreg [dreg:$0x9];
	[sflag:s18] =	ssyncset.done $0x0  }
0x83: {  	[sflag:s18] =	ssyncadd.s32 $0xFFFFE000;
	s16 =	sadd.s32 s11, s23;
	s23 =	simm.s32 $0xC400  }
0x84: {  	[hbm4b:s16+s2] =	stream.linear.scatter [tilespmem:s23], [sflag:$0xD], $0x2000, $0x38;
	[tilespmem:$0x16400] =	vst v63  }
0x85: {  	_ =	swait.ge [sflag:s20], $0x2000  }
0x86: {  	s25 =	rddreg [dreg:$0x8];
	[sflag:s20] =	ssyncset.done $0x0  }
0x87: {  	[sflag:s20] =	ssyncadd.s32 $0xFFFFE000;
	s16 =	sadd.s32 s11, s25;
	s25 =	simm.s32 $0xE400  }
0x88: {  	[hbm4b:s16+s2] =	stream.linear.scatter [tilespmem:s25], [sflag:$0xE], $0x2000, $0x38;
	[tilespmem:$0x16400] =	vst v63  }
0x89: {  	_ =	swait.ge [sflag:s22], $0x2000  }
0x8a: {  	s16 =	rddreg [dreg:$0x7];
	[sflag:s22] =	ssyncset.done $0x0  }
0x8b: {  	s28 =	simm.s32 $0x10400;
	[sflag:s22] =	ssyncadd.s32 $0xFFFFE000;
	s16 =	sadd.s32 s11, s16  }
0x8c: {  	[hbm4b:s16+s2] =	stream.linear.scatter [tilespmem:s28], [sflag:$0xF], $0x2000, $0x38;
	[tilespmem:$0x16400] =	vst v63  }
0x8d: {  	_ =	swait.ge [sflag:s24], $0x2000  }
0x8e: {  	s16 =	rddreg [dreg:$0x6];
	[sflag:s24] =	ssyncset.done $0x0  }
0x8f: {  	[sflag:s24] =	ssyncadd.s32 $0xFFFFE000;
	s16 =	sadd.s32 s11, s16  }
0x90: {  	[hbm4b:s16+s2] =	stream.linear.scatter [tilespmem:s30], [sflag:$0x10], $0x2000, $0x38;
	[tilespmem:$0x16400] =	vst v63  }
0x91: {  	_ =	swait.ge [sflag:s26], $0x2000  }
0x92: {  	s16 =	rddreg [dreg:$0x5];
	[sflag:s26] =	ssyncset.done $0x0  }
0x93: {  	[sflag:s26] =	ssyncadd.s32 $0xFFFFE000;
	s11 =	sadd.s32 s11, s16  }
0x94: {  	[hbm4b:s11+s2] =	stream.linear.scatter [tilespmem:s31], [sflag:$0x11], $0x2000, $0x38;
	[tilespmem:$0x16400] =	vst v63  }
0x95: {  	_ =	swait.ge [sflag:s29], $0x2000  }
0x96: {  	[sflag:s29] =	ssyncset.done $0x0  }
0x97: {  	s11 =	sadd.s32 $0xFFFFFC80, s14;
	[sflag:s29] =	ssyncadd.s32 $0xFFFFE000  }
0x98: {  	[tilespmem:s17], [sflag:$0x2] =	stream.indirect.gather [hbm4b:s3+s15], $0x40, s11, s15, $0xb8;
	[tilespmem:$0x16400] =	vst v63  }
0x99: {  	_ =	swait.ge [sflag:s4], $0x2000  }
0x9a: {  	[sflag:s4] =	ssyncset.done $0x0  }
0x9b: {  	s11 =	sadd.s32 $0xFFFFFD00, s14;
	[sflag:s4] =	ssyncadd.s32 $0xFFFFE000  }
0x9c: {  	[tilespmem:s19], [sflag:$0x3] =	stream.indirect.gather [hbm4b:s3+s15], $0x40, s11, s15, $0xb8;
	[tilespmem:$0x16400] =	vst v63  }
0x9d: {  	_ =	swait.ge [sflag:s5], $0x2000  }
0x9e: {  	[sflag:s5] =	ssyncset.done $0x0  }
0x9f: {  	s11 =	sadd.s32 $0xFFFFFD80, s14;
	[sflag:s5] =	ssyncadd.s32 $0xFFFFE000  }
0xa0: {  	[tilespmem:s21], [sflag:$0x4] =	stream.indirect.gather [hbm4b:s3+s15], $0x40, s11, s15, $0xb8;
	[tilespmem:$0x16400] =	vst v63  }
0xa1: {  	_ =	swait.ge [sflag:s6], $0x2000  }
0xa2: {  	[sflag:s6] =	ssyncset.done $0x0  }
0xa3: {  	s11 =	sadd.s32 $0xFFFFFE00, s14;
	[sflag:s6] =	ssyncadd.s32 $0xFFFFE000  }
0xa4: {  	[tilespmem:s23], [sflag:$0x5] =	stream.indirect.gather [hbm4b:s3+s15], $0x40, s11, s15, $0xb8;
	[tilespmem:$0x16400] =	vst v63  }
0xa5: {  	_ =	swait.ge [sflag:s7], $0x2000  }
0xa6: {  	[sflag:s7] =	ssyncset.done $0x0  }
0xa7: {  	s11 =	sadd.s32 $0xFFFFFE80, s14;
	[sflag:s7] =	ssyncadd.s32 $0xFFFFE000  }
0xa8: {  	[tilespmem:s25], [sflag:$0x6] =	stream.indirect.gather [hbm4b:s3+s15], $0x40, s11, s15, $0xb8;
	[tilespmem:$0x16400] =	vst v63  }
0xa9: {  	_ =	swait.ge [sflag:s8], $0x2000  }
0xaa: {  	[sflag:s8] =	ssyncset.done $0x0  }
0xab: {  	s12 =	smov.u32 s14;
	s11 =	sadd.s32 $0xFFFFFF00, s14;
	[sflag:s8] =	ssyncadd.s32 $0xFFFFE000  }
0xac: {  	[tilespmem:s28], [sflag:$0x7] =	stream.indirect.gather [hbm4b:s3+s15], $0x40, s11, s15, $0xb8;
	[tilespmem:$0x16400] =	vst v63  }
0xad: {  	p0 =	sne.s32 s13, $0x2E000;
	s13 =	sadd.s32 $0x2000, s13;
	_ =	swait.ge [sflag:s9], $0x2000  }
0xae: {  	s16 =	simm.s32 $0x6400;
	s17 =	simm.s32 $0x8400;
	[sflag:s9] =	ssyncset.done $0x0  }
.Ltmp0:
0xaf: {  	s11 =	sadd.s32 $0xFFFFFF80, s14;
	[sflag:s9] =	ssyncadd.s32 $0xFFFFE000;
	(pc) =	sbr.rel @p0 .LBB2_2-.Ltmp0, $4  }
0xb0: {  	[tilespmem:s30], [sflag:$0x8] =	stream.indirect.gather [hbm4b:s3+s15], $0x40, s11, s15, $0xb8;
	[tilespmem:$0x16400] =	vst v63  }
0xb1: {  	s19 =	simm.s32 $0xA400;
	s21 =	simm.s32 $0xC400;
	_ =	swait.ge [sflag:s10], $0x2000  }
0xb2: {  	s23 =	simm.s32 $0xE400;
	s25 =	simm.s32 $0x10400;
	[sflag:s10] =	ssyncset.done $0x0  }
0xb3: {  	s28 =	simm.s32 $0x12400;
	s14 =	sadd.s32 $0x400, s14;
	[sflag:s10] =	ssyncadd.s32 $0xFFFFE000  }
0xb4: {  	s13 =	simm.s32 $0x14400;
	s11 =	simm.s32 $0x2  }
0xb5: {  	[tilespmem:s13], [sflag:$0x9] =	stream.indirect.gather [hbm4b:s3+s15], $0x40, s12, s15, $0xb8;
	[tilespmem:$0x16400] =	vst v63  }
0xb6: {  	_ =	swait.ge [sflag:s11], $0x2000  }
0xb7: {  	[sflag:s11] =	ssyncset.done $0x0  }
0xb8: {  	s14 =	rddreg [dreg:$0xd];
	[sflag:s11] =	ssyncadd.s32 $0xFFFFE000  }
0xb9: {  	[hbm4b:s14+s2] =	stream.linear.scatter [tilespmem:s16], [sflag:$0xA], $0x2000, $0x38;
	[tilespmem:$0x16400] =	vst v63  }
0xba: {  	_ =	swait.ge [sflag:s1], $0x2000  }
0xbb: {  	[sflag:s1] =	ssyncset.done $0x0  }
0xbc: {  	s12 =	rddreg [dreg:$0xe];
	[sflag:s1] =	ssyncadd.s32 $0xFFFFE000  }
0xbd: {  	[hbm4b:s12+s2] =	stream.linear.scatter [tilespmem:s17], [sflag:$0xB], $0x2000, $0x38;
	[tilespmem:$0x16400] =	vst v63  }
0xbe: {  	_ =	swait.ge [sflag:s0], $0x2000  }
0xbf: {  	[sflag:s0] =	ssyncset.done $0x0  }
0xc0: {  	s14 =	rddreg [dreg:$0xf];
	[sflag:s0] =	ssyncadd.s32 $0xFFFFE000  }
0xc1: {  	[hbm4b:s14+s2] =	stream.linear.scatter [tilespmem:s19], [sflag:$0xC], $0x2000, $0x38;
	[tilespmem:$0x16400] =	vst v63  }
0xc2: {  	_ =	swait.ge [sflag:s18], $0x2000  }
0xc3: {  	[sflag:s18] =	ssyncset.done $0x0  }
0xc4: {  	s16 =	rddreg [dreg:$0x10];
	[sflag:s18] =	ssyncadd.s32 $0xFFFFE000  }
0xc5: {  	[hbm4b:s16+s2] =	stream.linear.scatter [tilespmem:s21], [sflag:$0xD], $0x2000, $0x38;
	[tilespmem:$0x16400] =	vst v63  }
0xc6: {  	_ =	swait.ge [sflag:s20], $0x2000  }
0xc7: {  	[sflag:s20] =	ssyncset.done $0x0  }
0xc8: {  	s17 =	rddreg [dreg:$0x11];
	[sflag:s20] =	ssyncadd.s32 $0xFFFFE000  }
0xc9: {  	[hbm4b:s17+s2] =	stream.linear.scatter [tilespmem:s23], [sflag:$0xE], $0x2000, $0x38;
	[tilespmem:$0x16400] =	vst v63  }
0xca: {  	_ =	swait.ge [sflag:s22], $0x2000  }
0xcb: {  	[sflag:s22] =	ssyncset.done $0x0  }
0xcc: {  	s19 =	rddreg [dreg:$0x12];
	[sflag:s22] =	ssyncadd.s32 $0xFFFFE000  }
0xcd: {  	[hbm4b:s19+s2] =	stream.linear.scatter [tilespmem:s25], [sflag:$0xF], $0x2000, $0x38;
	[tilespmem:$0x16400] =	vst v63  }
0xce: {  	_ =	swait.ge [sflag:s24], $0x2000  }
0xcf: {  	[sflag:s24] =	ssyncset.done $0x0  }
0xd0: {  	s21 =	rddreg [dreg:$0x13];
	[sflag:s24] =	ssyncadd.s32 $0xFFFFE000  }
0xd1: {  	[hbm4b:s21+s2] =	stream.linear.scatter [tilespmem:s28], [sflag:$0x10], $0x2000, $0x38;
	[tilespmem:$0x16400] =	vst v63  }
0xd2: {  	_ =	swait.ge [sflag:s26], $0x2000  }
0xd3: {  	[sflag:s26] =	ssyncset.done $0x0  }
0xd4: {  	s23 =	rddreg [dreg:$0x14];
	[sflag:s26] =	ssyncadd.s32 $0xFFFFE000  }
0xd5: {  	[hbm4b:s23+s2] =	stream.linear.scatter [tilespmem:s13], [sflag:$0x11], $0x2000, $0x38;
	[tilespmem:$0x16400] =	vst v63  }
0xd6: {  	_ =	swait.ge [sflag:s29], $0x2000  }
0xd7: {  	[sflag:s29] =	ssyncset.done $0x0  }
0xd8: {  	[sflag:s29] =	ssyncadd.s32 $0xFFFFE000  }
0xd9: {  	_ =	swait.ge [sflag:s4], $0x2000  }
0xda: {  	[sflag:s4] =	ssyncset.done $0x0  }
0xdb: {  	[sflag:s4] =	ssyncadd.s32 $0xFFFFE000  }
0xdc: {  	_ =	swait.ge [sflag:s5], $0x2000  }
0xdd: {  	[sflag:s5] =	ssyncset.done $0x0  }
0xde: {  	[sflag:s5] =	ssyncadd.s32 $0xFFFFE000  }
0xdf: {  	_ =	swait.ge [sflag:s6], $0x2000  }
0xe0: {  	[sflag:s6] =	ssyncset.done $0x0  }
0xe1: {  	[sflag:s6] =	ssyncadd.s32 $0xFFFFE000  }
0xe2: {  	_ =	swait.ge [sflag:s7], $0x2000  }
0xe3: {  	[sflag:s7] =	ssyncset.done $0x0  }
0xe4: {  	[sflag:s7] =	ssyncadd.s32 $0xFFFFE000  }
0xe5: {  	_ =	swait.ge [sflag:s8], $0x2000  }
0xe6: {  	[sflag:s8] =	ssyncset.done $0x0  }
0xe7: {  	[sflag:s8] =	ssyncadd.s32 $0xFFFFE000  }
0xe8: {  	_ =	swait.ge [sflag:s9], $0x2000  }
0xe9: {  	[sflag:s9] =	ssyncset.done $0x0  }
0xea: {  	[sflag:s9] =	ssyncadd.s32 $0xFFFFE000  }
0xeb: {  	_ =	swait.ge [sflag:s10], $0x2000  }
0xec: {  	s25 =	rddreg [dreg:$0x16]  }
0xed: {  	s28 =	rddreg [dreg:$0x15];
	s12 =	sadd.s32 $0x1, s25  }
0xee: {  	p0 =	sne.s32 s12, s28  }
.Ltmp1:
0xef: {  	_ = 	snop;
	(pc) =	sbr.rel @p0 .LBB2_1-.Ltmp1, $3  }
0xf0: {  	_ =	sdelay $0x1  }
0xf1: {  	[sflag:s10] =	ssyncset.done $0x0  }
0xf2: {  	[sflag:s10] =	ssyncadd.s32 $0xFFFFE000  }
0xf3: {  	_ =	sfence.sel $0x180000  }
0xf4: {  	[bflag:$0x0] =	sbarrier.arrive $0xFFFF  }
0xf5: {  	_ =	strace $0x90000047  }
0xf6: {  	s0 =	stileid.u32;
	[bflag:$0x2] =	sbarrier.arrive $0xFFFF  }
0xf7: {  	p0 =	sne.s32 s0, $0x0;
	s0 =	rddreg [dreg:$0x3]  }
0xf8: {  	s0 =	sadd.s32 @!p0 $0x100000, s0  }
0xf9: {  	[sflag:s0] =	ssyncadd.tile.s32 @!p0 $0x1;
	_ =	shalt  }
.Lfunc_end2:
_tile_overlayer_lowered:
.L_overlay_start_2:
0xfa: {  	(tag) =	ssettag $0x2  }
0xfb: {  	s0 =	rddreg [dreg:$0x0];
	s2 =	stileid.u32  }
0xfc: {  	s1 =	rddreg [dreg:$0x1];
	p0 =	sne.s32 s2, $0x0  }
0xfd: {  	s3 =	rddreg [dreg:$0x2];
	[bflag:$0x3] =	sbarrier.arrive $0xFFFF;
	s2 =	simm.s32 @!p0 $0x1C12  }
0xfe: {  	[timem:s3], [sflag:s2] =	dma.local @!p0 [hbm:s0], s1  }
0xff: {  	s0 =	simm.s32 @!p0 $0x12  }
0x100: {  	_ =	swait.ge @!p0 [sflag:s0], s1  }
0x101: {  	s1 =	ssub.s32 @!p0 $0x0, s1;
	[sflag:s0] =	ssyncset.done @!p0 $0x0  }
0x102: {  	[sflag:s0] =	ssyncadd.s32 @!p0 s1  }
0x103: {  	[bflag:$0x3] =	sbarrier.arrive $0xFFFF  }
0x104: {  	_ =	shalt  }

// kernel: sparse-core-data-format-call.cloned.1.call-start
scs
called_computation_lowered:
.L_overlay_start_0:
0x0: {  	s2 =	sld [smem:$0x3FD9]  }
0x1: {  	s3 =	sld [smem:$0x3FFE];
	_ =	sdelay $0x1  }
0x2: {  	s1 =	srdreg.scid  }
0x3: {  	s0 =	sand.u32 $0x1, s1  }
0x4: {  	s18 =	sshll.u32 s0, $0xA;
	s2 =	sadd.s32 s3, s2  }
0x5: {  	s2 =	sadd.s32 s2, s18  }
0x6: {  	[smem:$0x3FC6] =	sst s2  }
0x7: {  	_ = 	snop  }
0x8: {  	s2 =	sld [smem:$0x3FD0];
	(tm) =	ssettm $0x1  }
0x9: {  	s19 =	sld [smem:$0x3FFB];
	_ =	sdelay $0x3  }
0xa: {  	_ =	strace s19  }
0xb: {  	s3 =	sld [smem:$0x3FFC];
	_ =	sdelay $0x3  }
0xc: {  	_ =	strace s3  }
0xd: {  	s3 =	sld [smem:$0x3FFD];
	_ =	sdelay $0x3  }
0xe: {  	_ =	strace s3  }
0xf: {  	_ =	strace $0x8FFFFFFF  }
0x10: {  	s20 =	sld [smem:$0x3FDB];
	_ =	sdelay $0x1  }
0x11: {  	s4 =	simm.s32 $_scs_section_size  }
0x12: {  	s5 =	simm.s32 $_size__tile_overlayer_lowered;
	s6 =	simm.s32 $_tile_overlayer_lowered  }
0x13: {  	s23 =	simm.s32 $0x1BFF;
	s22 =	sshll.u32 s6, $0x1;
	s3 =	sadd.s32 s4, s20  }
0x14: {  	s7 =	simm.s32 $0x0;
	s21 =	sshll.u32 s5, $0x1;
	s5 =	sadd.s32 s22, s3  }
0x15: {  	[timem:s7], [sflag:s23] =	dma.local [hbm:s5], s21  }
0x16: {  	_ =	swait.ge [sflag:s23], s21  }
0x17: {  	s4 =	ssub.s32 $0x0, s21;
	[sflag:s23] =	ssyncset.done $0x0  }
0x18: {  	[sflag:s23] =	ssyncadd.s32 s4;
	_ =	sdelay $0x1  }
0x19: {  	s24 =	simm.s32 $0x1B8B  }
0x1a: {  	_ =	swait.ge [sflag:s24], $0x1  }
0x1b: {  	[sflag:s24] =	ssyncset.done $0x0  }
0x1c: {  	s26 =	simm.s32 $0x1B8E;
	s25 =	sld [smem:$0x3FFE];
	[sflag:s24] =	ssyncadd.s32 $0xFFFFFFFF  }
0x1d: {  	s27 =	simm.s32 $execute0_lowered;
	[smem:$0x3FD2] =	sst s26  }
0x1e: {  	s5 =	sshll.u32 s27, $0x1;
	_ =	strace $0x80000049;
	[dreg:$0x1] =	wrdreg $0xFFFFFFFF  }
0x1f: {  	s28 =	simm.s32 $_size_execute0_lowered;
	s3 =	sadd.s32 s3, s5;
	[dreg:$0x0] =	wrdreg $0x0  }
0x20: {  	s5 =	sshll.u32 s28, $0x1;
	[dreg:$0x2] =	wrdreg s3  }
0x21: {  	[dreg:$0x3] =	wrdreg s5  }
0x22: {  	[dreg:$0x4] =	wrdreg $0xC0  }
0x23: {  	_ =	task [dreg:s7], $0x5FFFF  }
0x24: {  	[dreg:$0x1] =	wrdreg $0xFFFFFFFF  }
0x25: {  	[dreg:$0x0] =	wrdreg $0x60  }
0x26: {  	[dreg:$0x2] =	wrdreg s25  }
0x27: {  	[dreg:$0x3] =	wrdreg s2  }
0x28: {  	[dreg:$0x4] =	wrdreg $0x9  }
0x29: {  	_ =	task.clear_ibuf [dreg:s7], $0x5FFFF;
	_ =	strace $0x90000049  }
0x2a: {  	s29 =	simm.s32 $0x9;
	_ =	strace $0x8000004B  }
0x2b: {  	_ =	swait.ge [sflag:s29], $0x1  }
0x2c: {  	[sflag:s29] =	ssyncadd.s32 $0xFFFFFFFF  }
0x2d: {  	_ =	strace $0x9000004B  }
0x2e: {  	_ =	sfence  }
0x2f: {  	s30 =	sld [smem:$0x0];
	_ =	sdelay $0x2  }
0x30: {  	s31 =	sshll.u32 s1, $0xD;
	s1 =	sshrl.u32 s1, $0x2  }
0x31: {  	s3 =	sand.u32 $0x4000, s31;
	s1 =	sadd.s32 s1, s30  }
0x32: {  	s0 =	sor.u32 s3, s0;
	s1 =	sshll.u32 s1, $0x11  }
0x33: {  	s0 =	sor.u32 s1, s0  }
0x34: {  	s0 =	sadd.s32 $0x8F2B, s0  }
0x35: {  	[sflag:s0] =	ssyncadd.remote.s32 $0x1  }
0x36: {  	_ =	sfence.sel $0xFFFF  }
0x37: {  	[dreg:$0x0] =	wrdreg $0xFFFFFFFF;
	(pc) =	sbr.abs _section_cstart, $3  }
0x38: {  	[dreg:$0x1] =	wrdreg $0xFFFFFFFF  }
0x39: {  	_ =	task.clear_ibuf [dreg:s7], $0x2FFFF;
	_ =	strace $0x9FFFFFFF  }
0x3a: {  	(tm) =	ssettm $0x7FFFFFFF  }
0x3b: {  	_ =	shalt  }
tec
execute0_lowered:
.L_overlay_start_1:
0x0: {  	(tag) =	ssettag $0x1  }
0x1: {  	s0 =	srdreg.scid  }
0x2: {  	s1 =	sshll.u32 s0, $0x4  }
0x3: {  	s4 =	rddreg [dreg:$0x0];
	s0 =	stileid.u32;
	s1 =	sand.u32 $0x10, s1  }
0x4: {  	s2 =	rddreg [dreg:$0x1];
	s7 =	simm.s32 $0x1;
	s1 =	sor.u32 s0, s1  }
0x5: {  	s8 =	simm.s32 $0x2;
	s11 =	simm.s32 $0x0;
	s3 =	sshll.u32 s1, $0x7  }
0x6: {  	s10 =	simm.s32 $0x0;
	s4 =	sadd.s32 $0x800, s4;
	s6 =	ssub.s32 $0xC8000, s3  }
.Ltmp0:
0x7: {  	s1 =	rddreg [dreg:$0x2];
	s5 =	sand.u32 $0xF80, s6;
	(pc) =	sbr.rel .LBB1_1-.Ltmp0, $4  }
0x8: {  	_ =	strace $0x8000004A;
	s9 =	smov.u32 s3;
	p0 =	sne.s32 s5, $0x0  }
0x9: {  	s6 =	sshrl.u32 s6, $0xC;
	s5 =	simm.s32 $0x1;
	s7 =	simm.s32 @!p0 $0x0  }
0xa: {  	[sflag:s5] =	ssyncpa.u1 $0x0;
	p0 =	por $0x0, $0x0;
	s6 =	sadd.s32 s7, s6  }
0xb: {  	[sflag:s8] =	ssyncpa.u1 $0x0;
	s8 =	simm.s32 $0x640000;
	s7 =	sadd.s32 $0x1, s6  }
.LBB1_4:
0xc: {  	s14 =	sshll.u32 s11, $0x3  }
0xd: {  	s30 =	sand.u32 $0x7F, s11;
	s15 =	sand.u32 $0xFFFFFC00, s14  }
0xe: {  	s11 =	sor.u32 s30, s15  }
0xf: {  	s15 =	smulhi.u32 $0x51EB851F, s11  }
0x10: {  	s14 =	smulhi.u32 $0x51EB851F, s14  }
0x11: {  	s15 =	sshrl.u32 s15, $0x12  }
0x12: {  	s14 =	sshrl.u32 s14, $0x12;
	s15 =	smul.u32 $0xC8000, s15  }
0x13: {  	s14 =	sand.u32 $0x3F, s14  }
0x14: {  	s14 =	smul.u32 $0x19000, s14;
	s11 =	ssub.s32 s11, s15  }
0x15: {  	[tilespmem:s13+$0x810 ss:$0x81] =	vst.msk $0xffff, v2;
	s15 =	sand.u32 $0x7, s11  }
0x16: {  	[tilespmem:s13+$0x1020 ss:$0x81] =	vst.msk $0xffff, v0;
	s14 =	sadd.s32 s2, s14;
	s11 =	sshrl.u32 s11, $0x3;
	s15 =	sshll.u32 s15, $0x12  }
0x17: {  	[tilespmem:s13+$0x0 ss:$0x81] =	vst.msk $0xffff, v1;
	s11 =	sadd.s32 s11, s14;
	s31 =	sor.u32 $0x400, s15  }
0x18: {  	[hbm4b:s11+s31] =	stream.strided.scatter [tilespmem:s12], [sflag:$0x2], $0x2000, s8, s31, $0x20;
	[tilespmem:$0x8080] =	vst v63  }
.LBB1_5:
0x19: {  	s13 =	sadd.s32 $0x1000, s9  }
0x1a: {  	p2 =	sgt.s32 s13, $0xC7FFF  }
0x1b: {  	s13 =	smov.u32 @p2 s3;
	p2 =	sne.s32 s10, s7  }
.Ltmp1:
0x1c: {  	p1 =	slt.u32 s10, $0x2;
	(pc) =	sbr.rel @!p2 .LBB1_6-.Ltmp1, $4  }
0x1d: {  	s12 =	simm.s32 @!p1 $0x2  }
0x1e: {  	s14 =	sadd.s32 $0x1, s10;
	_ =	swait.ge @!p1 [sflag:s12], $0x2000  }
0x1f: {  	s11 =	smov.u32 s9;
	p0 =	por !p0, !p0;
	[sflag:s12] =	ssyncset.done @!p1 $0x0  }
0x20: {  	s10 =	smov.u32 s14;
	s9 =	smov.u32 s13;
	[sflag:s12] =	ssyncadd.s32 @!p1 $0xFFFFE000  }
.LBB1_1:
0x21: {  	p1 =	sge.u32 s10, s6  }
0x22: {  	s12 =	sand.u32 @!p1 $0x1FFFFFF, s9  }
0x23: {  	s13 =	smulhi.u32 @!p1 $0x147AE15, s12;
	_ =	sdelay $0x1  }
0x24: {  	s13 =	sshrl.u32 @!p1 s13, $0xC  }
0x25: {  	s13 =	smul.u32 @!p1 $0xC8000, s13;
	_ =	sdelay $0x1  }
0x26: {  	s31 =	sadd.s32 $0xFFFFFFFF, s10;
	s14 =	sxor.u32 @!p1 $0xFFFFFFFF, s10;
	s12 =	ssub.s32 @!p1 s12, s13  }
0x27: {  	s15 =	simm.s32 @!p1 $0x80;
	s14 =	sshll.u32 @!p1 s14, $0xD;
	s12 =	sshll.u32 @!p1 s12, $0x4  }
0x28: {  	s13 =	sand.u32 @!p1 $0x2000, s14;
	s14 =	simm.s32 @!p1 $0x40;
	s12 =	sadd.s32 @!p1 s4, s12  }
0x29: {  	[tilespmem:s13], [sflag:$0x1] =	stream.strided.gather @!p1 [hbm4b:s12+s14], $0x2000, s15, s14, $0x38;
	[tilespmem:$0x8080] =	vst v63  }
0x2a: {  	p1 =	sge.u32 s31, s6  }
.Ltmp2:
0x2b: {  	_ = 	snop;
	(pc) =	sbr.rel @p1 .LBB1_5-.Ltmp2, $1  }
0x2c: {  	_ =	sdelay $0x3  }
0x2d: {  	s12 =	simm.s32 $0x1  }
0x2e: {  	_ =	swait.ge [sflag:s5], $0x2000;
	s12 =	simm.s32 @!p0 $0x0  }
0x2f: {  	[sflag:s5] =	ssyncset.done $0x0;
	s13 =	sshll.u32 s12, $0xD  }
0x30: {  	[sflag:s5] =	ssyncadd.s32 $0xFFFFE000;
	s16 =	sor.u32 $0x20, s13  }
0x31: {  	s12 =	smul.u32 $0x8100, s12;
	v3 =	vld [tilespmem:s16+$0x10]  }
0x32: {  	s30 =	sand.u32 $0x1, s10;
	v2 =	vld [tilespmem:s16+$0xFFFFFFF0]  }
0x33: {  	s13 =	smul.u32 $0x8100, s30;
	s12 =	sshrl.u32 s12, $0x2;
	v0 =	vld [tilespmem:s16+$0x0]  }
0x34: {  	v1 =	vld [tilespmem:s16+$0xFFFFFFE0];
	s14 =	sor.u32 $0x4000, s12  }
0x35: {  	s31 =	sshrl.u32 s13, $0x2;
	s13 =	sadd.s32 $0x0, s14  }
0x36: {  	s15 =	simm.s32 $0x4;
	s16 =	sadd.s32 $0x40, s16;
	s12 =	sor.u32 $0x4000, s31;
	[tilespmem:s13+$0x1830 ss:$0x81] =	vst.msk $0xffff, v3  }
.LBB1_3:
0x37: {  	v3 =	vld [tilespmem:s16+$0x10];
	p1 =	sne.s32 s15, $0x1FC;
	[tilespmem:s13+$0x810 ss:$0x81] =	vst.msk $0xffff, v2;
	s17 =	smov.u32 s15;
	s15 =	sadd.s32 $0x4, s15  }
.Ltmp3:
0x38: {  	v2 =	vld [tilespmem:s16+$0xFFFFFFF0];
	[tilespmem:s13+$0x1020 ss:$0x81] =	vst.msk $0xffff, v0;
	(pc) =	sbr.rel @p1 .LBB1_3-.Ltmp3, $4  }
0x39: {  	v0 =	vld [tilespmem:s16+$0x0];
	[tilespmem:s13+$0x0 ss:$0x81] =	vst.msk $0xffff, v1  }
0x3a: {  	s13 =	sshra.s32 s17, $0x2;
	v1 =	vld [tilespmem:s16+$0xFFFFFFE0]  }
0x3b: {  	s13 =	sadd.s32 s13, s14  }
0x3c: {  	s16 =	sadd.s32 $0x40, s16;
	[tilespmem:s13+$0x1830 ss:$0x81] =	vst.msk $0xffff, v3  }
.Ltmp4:
0x3d: {  	_ = 	snop;
	(pc) =	sbr.rel .LBB1_4-.Ltmp4, $1  }
0x3e: {  	_ =	sdelay $0x3  }
.LBB1_6:
0x3f: {  	_ =	sfence.sel $0x180000  }
0x40: {  	s2 =	simm.s32 $0x1;
	[bflag:$0x0] =	sbarrier.arrive $0xFFFF  }
0x41: {  	s31 =	simm.s32 $0x2;
	[sflag:s2] =	ssyncpa.u1 $0x1  }
0x42: {  	[sflag:s31] =	ssyncpa.u1 $0x1  }
0x43: {  	p0 =	sne.s32 s0, $0x0;
	_ =	strace $0x9000004A  }
0x44: {  	s0 =	sadd.s32 @!p0 $0x100000, s1;
	[bflag:$0x2] =	sbarrier.arrive $0xFFFF  }
0x45: {  	[sflag:s0] =	ssyncadd.tile.s32 @!p0 $0x1;
	_ =	shalt  }
.Lfunc_end1:
_tile_overlayer_lowered:
.L_overlay_start_2:
0x46: {  	(tag) =	ssettag $0x2  }
0x47: {  	s0 =	rddreg [dreg:$0x0];
	s2 =	stileid.u32  }
0x48: {  	s1 =	rddreg [dreg:$0x1];
	p0 =	sne.s32 s2, $0x0  }
0x49: {  	s3 =	rddreg [dreg:$0x2];
	[bflag:$0x3] =	sbarrier.arrive $0xFFFF;
	s2 =	simm.s32 @!p0 $0x1C01  }
0x4a: {  	[timem:s3], [sflag:s2] =	dma.local @!p0 [hbm:s0], s1  }
0x4b: {  	s0 =	simm.s32 @!p0 $0x1  }
0x4c: {  	_ =	swait.ge @!p0 [sflag:s0], s1  }
0x4d: {  	s1 =	ssub.s32 @!p0 $0x0, s1;
	[sflag:s0] =	ssyncset.done @!p0 $0x0  }
0x4e: {  	[sflag:s0] =	ssyncadd.s32 @!p0 s1  }
0x4f: {  	[bflag:$0x3] =	sbarrier.arrive $0xFFFF  }
0x50: {  	_ =	shalt  }

</sc_bundles>
